<compile_context>
chip_gen: v7x
topology: tpu7x:2x2x1
jax: 0.10.2.dev20260603
libtpu: 0.0.44.dev20260713+nightly
codegen_flags: <defaults>
</compile_context>

<pallas_src>
import functools

import jax
import jax.numpy as jnp
from jax import lax
from jax.experimental import pallas as pl
from jax.experimental.pallas import tpu as pltpu
from jax.experimental.pallas import tpu_sc as plsc

LATENT = 128
N_NODES = 10000
N_EDGES = 320000
NC, NS = 2, 16
NW = NC * NS
EPW = N_EDGES // NW
CHUNK = 80
NCHUNK = EPW // CHUNK
N_PAD = 10240
ROWS_PER_TILE = N_PAD // NS

_F32 = jnp.float32
_EPS = 1e-5

_sc_mesh = plsc.VectorSubcoreMesh(core_axis_name="c", subcore_axis_name="s")



def _proj_body(n_ref, wa_ref, wb_ref, ps_ref, pr_ref):
    n = n_ref[...]
    ps_ref[...] = jnp.dot(n, wa_ref[...], preferred_element_type=_F32)
    pr_ref[...] = jnp.dot(n, wb_ref[...], preferred_element_type=_F32)


def _project(nodes, wa, wb):
    B = 2000
    return pl.pallas_call(
        _proj_body,
        grid=(N_NODES // B,),
        in_specs=[
            pl.BlockSpec((B, LATENT), lambda i: (i, 0)),
            pl.BlockSpec((LATENT, LATENT), lambda i: (0, 0)),
            pl.BlockSpec((LATENT, LATENT), lambda i: (0, 0)),
        ],
        out_specs=[pl.BlockSpec((B, LATENT), lambda i: (i, 0))] * 2,
        out_shape=[jax.ShapeDtypeStruct((N_NODES, LATENT), _F32)] * 2,
    )(nodes, wa, wb)


def _edge_body(g1_ref, g2_ref, m_ref, wm_ref, w2_ref, b1_ref, b2_ref, g_ref,
               b_ref, new_ref, out_ref):
    mesh = m_ref[...]
    x = (g1_ref[...] + g2_ref[...] + b1_ref[...]
         + jnp.dot(mesh, wm_ref[...], preferred_element_type=_F32))
    h = jnp.maximum(x, 0.0)
    h = jnp.dot(h, w2_ref[...], preferred_element_type=_F32) + b2_ref[...]
    h = jnp.maximum(h, 0.0)
    mu = jnp.mean(h, axis=-1, keepdims=True)
    var = jnp.mean((h - mu) * (h - mu), axis=-1, keepdims=True)
    ln = (h - mu) * lax.rsqrt(var + _EPS) * g_ref[...] + b_ref[...]
    new_ref[...] = ln
    out_ref[...] = ln + mesh


def _edge_mlp(g1, g2, mesh, wm, w2, b1, b2, g, b):
    E = 3200
    full = lambda i: (0, 0)
    row = lambda i: (i, 0)
    return pl.pallas_call(
        _edge_body,
        grid=(N_EDGES // E,),
        in_specs=[
            pl.BlockSpec((E, LATENT), row),
            pl.BlockSpec((E, LATENT), row),
            pl.BlockSpec((E, LATENT), row),
            pl.BlockSpec((LATENT, LATENT), full),
            pl.BlockSpec((LATENT, LATENT), full),
            pl.BlockSpec((1, LATENT), full),
            pl.BlockSpec((1, LATENT), full),
            pl.BlockSpec((1, LATENT), full),
            pl.BlockSpec((1, LATENT), full),
        ],
        out_specs=[pl.BlockSpec((E, LATENT), row)] * 2,
        out_shape=[jax.ShapeDtypeStruct((N_EDGES, LATENT), _F32)] * 2,
    )(g1, g2, mesh, wm, w2, b1, b2, g, b)


def _node_body(n_ref, agg_ref, wa_ref, wb_ref, w2_ref, b1_ref, b2_ref, g_ref,
               b_ref, out_ref):
    nodes = n_ref[...]
    a = agg_ref[0] + agg_ref[1]
    x = (jnp.dot(nodes, wa_ref[...], preferred_element_type=_F32)
         + jnp.dot(a, wb_ref[...], preferred_element_type=_F32) + b1_ref[...])
    h = jnp.maximum(x, 0.0)
    h = jnp.dot(h, w2_ref[...], preferred_element_type=_F32) + b2_ref[...]
    h = jnp.maximum(h, 0.0)
    mu = jnp.mean(h, axis=-1, keepdims=True)
    var = jnp.mean((h - mu) * (h - mu), axis=-1, keepdims=True)
    ln = (h - mu) * lax.rsqrt(var + _EPS) * g_ref[...] + b_ref[...]
    out_ref[...] = ln + nodes


def _node_mlp(nodes, partials, wa, wb, w2, b1, b2, g, b):
    B = 2000
    full = lambda i: (0, 0)
    return pl.pallas_call(
        _node_body,
        grid=(N_NODES // B,),
        in_specs=[
            pl.BlockSpec((B, LATENT), lambda i: (i, 0)),
            pl.BlockSpec((NC, B, LATENT), lambda i: (0, i, 0)),
            pl.BlockSpec((LATENT, LATENT), full),
            pl.BlockSpec((LATENT, LATENT), full),
            pl.BlockSpec((LATENT, LATENT), full),
            pl.BlockSpec((1, LATENT), full),
            pl.BlockSpec((1, LATENT), full),
            pl.BlockSpec((1, LATENT), full),
            pl.BlockSpec((1, LATENT), full),
        ],
        out_specs=pl.BlockSpec((B, LATENT), lambda i: (i, 0)),
        out_shape=jax.ShapeDtypeStruct((N_NODES, LATENT), _F32),
    )(nodes, partials, wa, wb, w2, b1, b2, g, b)



@functools.partial(
    pl.kernel,
    out_type=[
        jax.ShapeDtypeStruct((N_EDGES, LATENT), _F32),
        jax.ShapeDtypeStruct((N_EDGES, LATENT), _F32),
    ],
    mesh=_sc_mesh,
    scratch_types=[
        pltpu.VMEM((NCHUNK, CHUNK), jnp.int32),
        pltpu.VMEM((NCHUNK, CHUNK), jnp.int32),
        pltpu.VMEM((CHUNK, LATENT), _F32),
        pltpu.VMEM((CHUNK, LATENT), _F32),
        pltpu.SemaphoreType.DMA,
        pltpu.SemaphoreType.DMA,
    ],
)
def _sc_gather(ps_hbm, pr_hbm, sidx_hbm, ridx_hbm, g1_hbm, g2_hbm,
               sidx_v, ridx_v, buf1, buf2, sem1, sem2):
    wid = lax.axis_index("s") * NC + lax.axis_index("c")
    cbase = wid * NCHUNK
    pltpu.sync_copy(sidx_hbm.at[wid], sidx_v)
    pltpu.sync_copy(ridx_hbm.at[wid], ridx_v)

    @pl.loop(0, NCHUNK)
    def _chunk(j):
        d1 = pltpu.async_copy(ps_hbm.at[sidx_v.at[j]], buf1, sem1)
        d2 = pltpu.async_copy(pr_hbm.at[ridx_v.at[j]], buf2, sem2)
        d1.wait()
        d2.wait()
        row0 = (cbase + j) * CHUNK
        o1 = pltpu.async_copy(buf1, g1_hbm.at[pl.ds(row0, CHUNK)], sem1)
        o2 = pltpu.async_copy(buf2, g2_hbm.at[pl.ds(row0, CHUNK)], sem2)
        o1.wait()
        o2.wait()


@functools.partial(
    pl.kernel,
    out_type=jax.ShapeDtypeStruct((NC, N_PAD, LATENT), _F32),
    mesh=_sc_mesh,
    scratch_types=[
        pltpu.VMEM((NCHUNK, CHUNK), jnp.int32),
        pltpu.VMEM((CHUNK, LATENT), _F32),
        pltpu.VMEM_SHARED((N_PAD, LATENT), _F32),
        pltpu.SemaphoreType.DMA,
    ],
)
def _sc_scatter(e_hbm, ridx_hbm, zero_hbm, out_hbm, ridx_v, ebuf, acc, sem):
    cid = lax.axis_index("c")
    sid = lax.axis_index("s")
    wid = sid * NC + cid
    my_rows = pl.ds(sid * ROWS_PER_TILE, ROWS_PER_TILE)
    pltpu.sync_copy(zero_hbm, acc.at[my_rows])
    plsc.subcore_barrier()
    cbase = wid * NCHUNK
    pltpu.sync_copy(ridx_hbm.at[wid], ridx_v)

    @pl.loop(0, NCHUNK)
    def _chunk(j):
        pltpu.async_copy(
            e_hbm.at[pl.ds((cbase + j) * CHUNK, CHUNK)], ebuf, sem).wait()
        pltpu.sync_copy(ebuf, acc.at[ridx_v.at[j]], add=True)

    plsc.subcore_barrier()
    pltpu.sync_copy(acc.at[my_rows], out_hbm.at[cid, my_rows])



def kernel(node_latents, mesh_edge_latents, We1, be1, We2, be2, ge, bbe,
           Wn1, bn1, Wn2, bn2, gn, bbn, senders, receivers):
    wa = We1[:LATENT]
    wb = We1[LATENT:2 * LATENT]
    wm = We1[2 * LATENT:]
    ps, pr = _project(node_latents, wa, wb)

    s3 = senders.reshape(NW, NCHUNK, CHUNK)
    r3 = receivers.reshape(NW, NCHUNK, CHUNK)
    g1, g2 = _sc_gather(ps, pr, s3, r3)

    new_e, out_e = _edge_mlp(
        g1, g2, mesh_edge_latents, wm, We2,
        be1.reshape(1, LATENT), be2.reshape(1, LATENT),
        ge.reshape(1, LATENT), bbe.reshape(1, LATENT))

    zeros = jnp.zeros((ROWS_PER_TILE, LATENT), _F32)
    partials = _sc_scatter(new_e, r3, zeros)

    new_n = _node_mlp(
        node_latents, partials[:, :N_NODES], Wn1[:LATENT], Wn1[LATENT:], Wn2,
        bn1.reshape(1, LATENT), bn2.reshape(1, LATENT),
        gn.reshape(1, LATENT), bbn.reshape(1, LATENT))

    return (new_n, out_e)

# --- scband reference (transcript-rebuilt; emitter-appended) ---
"""Pipeline reference for scband-graph-net-block-58557584114439 (READ-ONLY COPY).

The authoritative reference and input builder live on the scoring server;
editing this copy changes nothing except your own understanding.
"""

import jax, jax.numpy as jnp
import numpy as np

LATENT = 128
N_NODES = 10000
N_EDGES = 320000


def _layernorm(x, g, b, eps=1e-5):
    mu = jnp.mean(x, axis=-1, keepdims=True)
    var = jnp.var(x, axis=-1, keepdims=True)
    return (x - mu) / jnp.sqrt(var + eps) * g + b


def _mlp(x, W1, b1, W2, b2, g, b):
    h = jax.nn.relu(x @ W1 + b1)
    h = jax.nn.relu(h @ W2 + b2)
    return _layernorm(h, g, b)


def setup_inputs(seed: int = 0) -> dict:
    key = jax.random.key(seed)
    ks = [jax.random.fold_in(key, i) for i in range(16)]
    node_latents = jax.random.normal(ks[0], (N_NODES, LATENT), dtype=jnp.float32)
    mesh_edge_latents = jax.random.normal(ks[1], (N_EDGES, LATENT), dtype=jnp.float32)
    senders = jax.random.randint(ks[2], (N_EDGES,), 0, N_NODES, dtype=jnp.int32)
    receivers = jax.random.randint(ks[3], (N_EDGES,), 0, N_NODES, dtype=jnp.int32)
    def lin(k, fan_in, fan_out):
        lim = 1.0 / np.sqrt(fan_in)
        W = jax.random.uniform(k, (fan_in, fan_out), minval=-lim, maxval=lim, dtype=jnp.float32)
        b = jax.random.uniform(jax.random.fold_in(k, 1), (fan_out,), minval=-lim, maxval=lim, dtype=jnp.float32)
        return W, b
    We1, be1 = lin(ks[4], 3 * LATENT, LATENT)
    We2, be2 = lin(ks[5], LATENT, LATENT)
    ge = jnp.ones((LATENT,), dtype=jnp.float32)
    bbe = jnp.zeros((LATENT,), dtype=jnp.float32)
    Wn1, bn1 = lin(ks[6], 2 * LATENT, LATENT)
    Wn2, bn2 = lin(ks[7], LATENT, LATENT)
    gn = jnp.ones((LATENT,), dtype=jnp.float32)
    bbn = jnp.zeros((LATENT,), dtype=jnp.float32)
    return {
        "node_latents": node_latents,
        "mesh_edge_latents": mesh_edge_latents,
        "We1": We1, "be1": be1, "We2": We2, "be2": be2, "ge": ge, "bbe": bbe,
        "Wn1": Wn1, "bn1": bn1, "Wn2": Wn2, "bn2": bn2, "gn": gn, "bbn": bbn,
        "senders": senders,
        "receivers": receivers,
    }


def reference(node_latents, mesh_edge_latents, We1, be1, We2, be2, ge, bbe, Wn1, bn1, Wn2, bn2, gn, bbn, senders, receivers):
    edge_input = jnp.concatenate([
        jnp.take(node_latents, senders, axis=0),
        jnp.take(node_latents, receivers, axis=0),
        mesh_edge_latents,
    ], axis=-1)
    new_mesh_edge_latents = _mlp(edge_input, We1, be1, We2, be2, ge, bbe)
    aggr = jnp.zeros((node_latents.shape[0], LATENT), dtype=jnp.float32).at[receivers].add(new_mesh_edge_latents)
    node_input = jnp.concatenate([node_latents, aggr], axis=-1)
    new_node_latents = _mlp(node_input, Wn1, bn1, Wn2, bn2, gn, bbn)
    return (new_node_latents + node_latents, new_mesh_edge_latents + mesh_edge_latents)

if __name__ == "__main__":
    import jax
    _d = setup_inputs()
    print(jax.jit(kernel)(*tuple(_d.values())))

</pallas_src>

<mosaic_0001>
#map = affine_map<(d0, d1) -> (0, 0)>
#map1 = affine_map<(d0, d1) -> (0, 0, 0)>
module attributes {stable_mosaic.version = 14 : i64} {
  func.func @_sc_scatter(%arg0: i32, %arg1: i32, %arg2: memref<320000x128xf32, #tpu.memory_space<hbm>>, %arg3: memref<32x125x80xi32, #tpu.memory_space<hbm>>, %arg4: memref<640x128xf32, #tpu.memory_space<hbm>>, %arg5: memref<2x10240x128xf32, #tpu.memory_space<hbm>>, %arg6: memref<125x80xi32, #tpu.memory_space<vmem>>, %arg7: memref<80x128xf32, #tpu.memory_space<vmem>>, %arg8: memref<10240x128xf32, #tpu.memory_space<vmem_shared>>, %arg9: memref<!tpu.dma_semaphore, #tpu.memory_space<semaphore_mem>>) attributes {dimension_semantics = [#tpu.dimension_semantics<core_parallel>, #tpu.dimension_semantics<subcore_parallel>], iteration_bounds = array<i64: 2, 16>, scalar_prefetch = 0 : i64, scratch_operands = 4 : i64, tpu.core_type = #tpu.core_type<sc_vector_subcore>, window_params = [{transform_indices = #map}, {transform_indices = #map1}, {transform_indices = #map}, {transform_indices = #map1}]} {
    %mul3A = arith.constant 2 : i32
    %mul3A_0 = arith.muli %arg1, %mul3A : i32
    %add3A = arith.addi %mul3A_0, %arg0 : i32
    %mul3A_1 = arith.constant 640 : i32
    %mul3A_2 = arith.muli %arg1, %mul3A_1 : i32
    "tpu.region"() ({
      %run_scoped3A = tpu.sem_alloc : memref<!tpu.dma_semaphore, #tpu.memory_space<semaphore_mem>>
      %dma_start3A = arith.constant 0 : i32
      %dma_start3A_10 = tpu.memref_slice %arg8[%mul3A_2, %dma_start3A] : memref<10240x128xf32, #tpu.memory_space<vmem_shared>> -> memref<640x128xf32, #tpu.memory_space<vmem_shared>>
      tpu.enqueue_dma source(%arg4 : memref<640x128xf32, #tpu.memory_space<hbm>>) target(%dma_start3A_10 : memref<640x128xf32, #tpu.memory_space<vmem_shared>>) target_semaphore(%run_scoped3A : memref<!tpu.dma_semaphore, #tpu.memory_space<semaphore_mem>>)
      %dma_wait3A = arith.constant 0 : i32
      %dma_wait3A_11 = tpu.memref_slice %arg8[%mul3A_2, %dma_wait3A] : memref<10240x128xf32, #tpu.memory_space<vmem_shared>> -> memref<640x128xf32, #tpu.memory_space<vmem_shared>>
      tpu.wait_dma2 semaphore(%run_scoped3A : memref<!tpu.dma_semaphore, #tpu.memory_space<semaphore_mem>>) src(%arg4 : memref<640x128xf32, #tpu.memory_space<hbm>>) dst(%dma_wait3A_11 : memref<640x128xf32, #tpu.memory_space<vmem_shared>>)
      tpu.yield
    }) : () -> ()
    %barrier3A = arith.constant 0 : index
    tpu.barrier barrier_id(%barrier3A)
    %mul3A_3 = arith.constant 125 : i32
    %mul3A_4 = arith.muli %add3A, %mul3A_3 : i32
    "tpu.region"() ({
      %run_scoped3A = tpu.sem_alloc : memref<!tpu.dma_semaphore, #tpu.memory_space<semaphore_mem>>
      %dma_start3A = arith.constant 0 : i32
      %dma_start3A_10 = arith.constant 0 : i32
      %dma_start3A_11 = tpu.memref_slice %arg3[%add3A, %dma_start3A, %dma_start3A_10] : memref<32x125x80xi32, #tpu.memory_space<hbm>> -> memref<1x125x80xi32, #tpu.memory_space<hbm>>
      %dma_start3A_12 = tpu.memref_squeeze %dma_start3A_11 : memref<1x125x80xi32, #tpu.memory_space<hbm>> -> memref<125x80xi32, #tpu.memory_space<hbm>>
      %dma_start3A_13 = arith.constant 0 : i32
      %dma_start3A_14 = arith.constant 0 : i32
      %dma_start3A_15 = tpu.memref_slice %arg3[%add3A, %dma_start3A_13, %dma_start3A_14] : memref<32x125x80xi32, #tpu.memory_space<hbm>> -> memref<1x125x80xi32, #tpu.memory_space<hbm>>
      %dma_start3A_16 = tpu.memref_squeeze %dma_start3A_15 : memref<1x125x80xi32, #tpu.memory_space<hbm>> -> memref<125x80xi32, #tpu.memory_space<hbm>>
      tpu.enqueue_dma source(%dma_start3A_16 : memref<125x80xi32, #tpu.memory_space<hbm>>) target(%arg6 : memref<125x80xi32, #tpu.memory_space<vmem>>) target_semaphore(%run_scoped3A : memref<!tpu.dma_semaphore, #tpu.memory_space<semaphore_mem>>)
      %dma_wait3A = arith.constant 0 : i32
      %dma_wait3A_17 = arith.constant 0 : i32
      %dma_wait3A_18 = tpu.memref_slice %arg3[%add3A, %dma_wait3A, %dma_wait3A_17] : memref<32x125x80xi32, #tpu.memory_space<hbm>> -> memref<1x125x80xi32, #tpu.memory_space<hbm>>
      %dma_wait3A_19 = tpu.memref_squeeze %dma_wait3A_18 : memref<1x125x80xi32, #tpu.memory_space<hbm>> -> memref<125x80xi32, #tpu.memory_space<hbm>>
      %dma_wait3A_20 = arith.constant 0 : i32
      %dma_wait3A_21 = arith.constant 0 : i32
      %dma_wait3A_22 = tpu.memref_slice %arg3[%add3A, %dma_wait3A_20, %dma_wait3A_21] : memref<32x125x80xi32, #tpu.memory_space<hbm>> -> memref<1x125x80xi32, #tpu.memory_space<hbm>>
      %dma_wait3A_23 = tpu.memref_squeeze %dma_wait3A_22 : memref<1x125x80xi32, #tpu.memory_space<hbm>> -> memref<125x80xi32, #tpu.memory_space<hbm>>
      tpu.wait_dma2 semaphore(%run_scoped3A : memref<!tpu.dma_semaphore, #tpu.memory_space<semaphore_mem>>) src(%dma_wait3A_23 : memref<125x80xi32, #tpu.memory_space<hbm>>) dst(%arg6 : memref<125x80xi32, #tpu.memory_space<vmem>>)
      tpu.yield
    }) : () -> ()
    %scan3A = arith.constant 0 : i32
    %scan3A_5 = arith.constant 125 : i32
    %scan3A_6 = arith.addi %scan3A, %scan3A_5 : i32
    %scan3A_7 = arith.constant 1 : i32
    scf.for %scan3A_10 = %scan3A to %scan3A_6 step %scan3A_7  : i32 {
      %mul3A_11 = arith.constant 1 : i32
      %mul3A_12 = arith.muli %scan3A_10, %mul3A_11 : i32
      %add3A_13 = arith.constant 0 : i32
      %add3A_14 = arith.addi %add3A_13, %mul3A_12 : i32
      %add3A_15 = arith.addi %mul3A_4, %add3A_14 : i32
      %mul3A_16 = arith.constant 80 : i32
      %mul3A_17 = arith.muli %add3A_15, %mul3A_16 : i32
      %dma_start3A = arith.constant 0 : i32
      %dma_start3A_18 = tpu.memref_slice %arg2[%mul3A_17, %dma_start3A] : memref<320000x128xf32, #tpu.memory_space<hbm>> -> memref<80x128xf32, #tpu.memory_space<hbm>>
      %dma_start3A_19 = arith.constant 0 : i32
      %dma_start3A_20 = tpu.memref_slice %arg2[%mul3A_17, %dma_start3A_19] : memref<320000x128xf32, #tpu.memory_space<hbm>> -> memref<80x128xf32, #tpu.memory_space<hbm>>
      tpu.enqueue_dma source(%dma_start3A_20 : memref<80x128xf32, #tpu.memory_space<hbm>>) target(%arg7 : memref<80x128xf32, #tpu.memory_space<vmem>>) target_semaphore(%arg9 : memref<!tpu.dma_semaphore, #tpu.memory_space<semaphore_mem>>)
      %dma_wait3A = arith.constant 0 : i32
      %dma_wait3A_21 = tpu.memref_slice %arg2[%mul3A_17, %dma_wait3A] : memref<320000x128xf32, #tpu.memory_space<hbm>> -> memref<80x128xf32, #tpu.memory_space<hbm>>
      %dma_wait3A_22 = arith.constant 0 : i32
      %dma_wait3A_23 = tpu.memref_slice %arg2[%mul3A_17, %dma_wait3A_22] : memref<320000x128xf32, #tpu.memory_space<hbm>> -> memref<80x128xf32, #tpu.memory_space<hbm>>
      tpu.wait_dma2 semaphore(%arg9 : memref<!tpu.dma_semaphore, #tpu.memory_space<semaphore_mem>>) src(%dma_wait3A_23 : memref<80x128xf32, #tpu.memory_space<hbm>>) dst(%arg7 : memref<80x128xf32, #tpu.memory_space<vmem>>)
      "tpu.region"() ({
        %run_scoped3A = tpu.sem_alloc : memref<!tpu.dma_semaphore, #tpu.memory_space<semaphore_mem>>
        %dma_start3A_24 = arith.constant 0 : i32
        %dma_start3A_25 = tpu.memref_slice %arg6[%add3A_14, %dma_start3A_24] : memref<125x80xi32, #tpu.memory_space<vmem>> -> memref<1x80xi32, #tpu.memory_space<vmem>>
        %dma_start3A_26 = tpu.memref_squeeze %dma_start3A_25 : memref<1x80xi32, #tpu.memory_space<vmem>> -> memref<80xi32, #tpu.memory_space<vmem>>
        %dma_start3A_27 = arith.constant 0 : i32
        %dma_start3A_28 = arith.constant 0 : i32
        %dma_start3A_29 = tpu.memref_slice %arg8[%dma_start3A_27, %dma_start3A_28] : memref<10240x128xf32, #tpu.memory_space<vmem_shared>> -> memref<10240x128xf32, #tpu.memory_space<vmem_shared>>
        tpu.enqueue_indirect_dma source(%arg7 : memref<80x128xf32, #tpu.memory_space<vmem>>) target(%dma_start3A_29 : memref<10240x128xf32, #tpu.memory_space<vmem_shared>>) offsets(%dma_start3A_26 : memref<80xi32, #tpu.memory_space<vmem>>) semaphore(%run_scoped3A : memref<!tpu.dma_semaphore, #tpu.memory_space<semaphore_mem>>) {add = true}
        %dma_wait3A_30 = arith.constant 0 : i32
        %dma_wait3A_31 = tpu.memref_slice %arg6[%add3A_14, %dma_wait3A_30] : memref<125x80xi32, #tpu.memory_space<vmem>> -> memref<1x80xi32, #tpu.memory_space<vmem>>
        %dma_wait3A_32 = tpu.memref_squeeze %dma_wait3A_31 : memref<1x80xi32, #tpu.memory_space<vmem>> -> memref<80xi32, #tpu.memory_space<vmem>>
        %dma_wait3A_33 = arith.constant 0 : i32
        %dma_wait3A_34 = arith.constant 0 : i32
        %dma_wait3A_35 = tpu.memref_slice %arg8[%dma_wait3A_33, %dma_wait3A_34] : memref<10240x128xf32, #tpu.memory_space<vmem_shared>> -> memref<10240x128xf32, #tpu.memory_space<vmem_shared>>
        tpu.wait_indirect_dma semaphore(%run_scoped3A : memref<!tpu.dma_semaphore, #tpu.memory_space<semaphore_mem>>) src(%arg7 : memref<80x128xf32, #tpu.memory_space<vmem>>) dst(%dma_wait3A_35 : memref<10240x128xf32, #tpu.memory_space<vmem_shared>>)
        tpu.yield
      }) : () -> ()
    }
    %scan3A_8 = arith.constant 125 : i32
    %barrier3A_9 = arith.constant 0 : index
    tpu.barrier barrier_id(%barrier3A_9)
    "tpu.region"() ({
      %run_scoped3A = tpu.sem_alloc : memref<!tpu.dma_semaphore, #tpu.memory_space<semaphore_mem>>
      %dma_start3A = arith.constant 0 : i32
      %dma_start3A_10 = tpu.memref_slice %arg5[%arg0, %mul3A_2, %dma_start3A] : memref<2x10240x128xf32, #tpu.memory_space<hbm>> -> memref<1x640x128xf32, #tpu.memory_space<hbm>>
      %dma_start3A_11 = tpu.memref_squeeze %dma_start3A_10 : memref<1x640x128xf32, #tpu.memory_space<hbm>> -> memref<640x128xf32, #tpu.memory_space<hbm>>
      %dma_start3A_12 = arith.constant 0 : i32
      %dma_start3A_13 = tpu.memref_slice %arg8[%mul3A_2, %dma_start3A_12] : memref<10240x128xf32, #tpu.memory_space<vmem_shared>> -> memref<640x128xf32, #tpu.memory_space<vmem_shared>>
      tpu.enqueue_dma source(%dma_start3A_13 : memref<640x128xf32, #tpu.memory_space<vmem_shared>>) target(%dma_start3A_11 : memref<640x128xf32, #tpu.memory_space<hbm>>) target_semaphore(%run_scoped3A : memref<!tpu.dma_semaphore, #tpu.memory_space<semaphore_mem>>)
      %dma_wait3A = arith.constant 0 : i32
      %dma_wait3A_14 = tpu.memref_slice %arg5[%arg0, %mul3A_2, %dma_wait3A] : memref<2x10240x128xf32, #tpu.memory_space<hbm>> -> memref<1x640x128xf32, #tpu.memory_space<hbm>>
      %dma_wait3A_15 = tpu.memref_squeeze %dma_wait3A_14 : memref<1x640x128xf32, #tpu.memory_space<hbm>> -> memref<640x128xf32, #tpu.memory_space<hbm>>
      %dma_wait3A_16 = arith.constant 0 : i32
      %dma_wait3A_17 = tpu.memref_slice %arg8[%mul3A_2, %dma_wait3A_16] : memref<10240x128xf32, #tpu.memory_space<vmem_shared>> -> memref<640x128xf32, #tpu.memory_space<vmem_shared>>
      tpu.wait_dma2 semaphore(%run_scoped3A : memref<!tpu.dma_semaphore, #tpu.memory_space<semaphore_mem>>) src(%dma_wait3A_17 : memref<640x128xf32, #tpu.memory_space<vmem_shared>>) dst(%dma_wait3A_15 : memref<640x128xf32, #tpu.memory_space<hbm>>)
      tpu.yield
    }) : () -> ()
    return
  }
}

#map = affine_map<(d0, d1) -> (0, 0)>
#map1 = affine_map<(d0, d1) -> (0, 0, 0)>
module attributes {stable_mosaic.version = 14 : i64} {
  func.func @_sc_gather(%arg0: i32, %arg1: i32, %arg2: memref<10000x128xf32, #tpu.memory_space<hbm>>, %arg3: memref<10000x128xf32, #tpu.memory_space<hbm>>, %arg4: memref<32x125x80xi32, #tpu.memory_space<hbm>>, %arg5: memref<32x125x80xi32, #tpu.memory_space<hbm>>, %arg6: memref<320000x128xf32, #tpu.memory_space<hbm>>, %arg7: memref<320000x128xf32, #tpu.memory_space<hbm>>, %arg8: memref<125x80xi32, #tpu.memory_space<vmem>>, %arg9: memref<125x80xi32, #tpu.memory_space<vmem>>, %arg10: memref<80x128xf32, #tpu.memory_space<vmem>>, %arg11: memref<80x128xf32, #tpu.memory_space<vmem>>, %arg12: memref<!tpu.dma_semaphore, #tpu.memory_space<semaphore_mem>>, %arg13: memref<!tpu.dma_semaphore, #tpu.memory_space<semaphore_mem>>) attributes {dimension_semantics = [#tpu.dimension_semantics<core_parallel>, #tpu.dimension_semantics<subcore_parallel>], iteration_bounds = array<i64: 2, 16>, scalar_prefetch = 0 : i64, scratch_operands = 6 : i64, tpu.core_type = #tpu.core_type<sc_vector_subcore>, window_params = [{transform_indices = #map}, {transform_indices = #map}, {transform_indices = #map1}, {transform_indices = #map1}, {transform_indices = #map}, {transform_indices = #map}]} {
    %mul3A = arith.constant 2 : i32
    %mul3A_0 = arith.muli %arg1, %mul3A : i32
    %add3A = arith.addi %mul3A_0, %arg0 : i32
    %mul3A_1 = arith.constant 125 : i32
    %mul3A_2 = arith.muli %add3A, %mul3A_1 : i32
    "tpu.region"() ({
      %run_scoped3A = tpu.sem_alloc : memref<!tpu.dma_semaphore, #tpu.memory_space<semaphore_mem>>
      %dma_start3A = arith.constant 0 : i32
      %dma_start3A_7 = arith.constant 0 : i32
      %dma_start3A_8 = tpu.memref_slice %arg4[%add3A, %dma_start3A, %dma_start3A_7] : memref<32x125x80xi32, #tpu.memory_space<hbm>> -> memref<1x125x80xi32, #tpu.memory_space<hbm>>
      %dma_start3A_9 = tpu.memref_squeeze %dma_start3A_8 : memref<1x125x80xi32, #tpu.memory_space<hbm>> -> memref<125x80xi32, #tpu.memory_space<hbm>>
      %dma_start3A_10 = arith.constant 0 : i32
      %dma_start3A_11 = arith.constant 0 : i32
      %dma_start3A_12 = tpu.memref_slice %arg4[%add3A, %dma_start3A_10, %dma_start3A_11] : memref<32x125x80xi32, #tpu.memory_space<hbm>> -> memref<1x125x80xi32, #tpu.memory_space<hbm>>
      %dma_start3A_13 = tpu.memref_squeeze %dma_start3A_12 : memref<1x125x80xi32, #tpu.memory_space<hbm>> -> memref<125x80xi32, #tpu.memory_space<hbm>>
      tpu.enqueue_dma source(%dma_start3A_13 : memref<125x80xi32, #tpu.memory_space<hbm>>) target(%arg8 : memref<125x80xi32, #tpu.memory_space<vmem>>) target_semaphore(%run_scoped3A : memref<!tpu.dma_semaphore, #tpu.memory_space<semaphore_mem>>)
      %dma_wait3A = arith.constant 0 : i32
      %dma_wait3A_14 = arith.constant 0 : i32
      %dma_wait3A_15 = tpu.memref_slice %arg4[%add3A, %dma_wait3A, %dma_wait3A_14] : memref<32x125x80xi32, #tpu.memory_space<hbm>> -> memref<1x125x80xi32, #tpu.memory_space<hbm>>
      %dma_wait3A_16 = tpu.memref_squeeze %dma_wait3A_15 : memref<1x125x80xi32, #tpu.memory_space<hbm>> -> memref<125x80xi32, #tpu.memory_space<hbm>>
      %dma_wait3A_17 = arith.constant 0 : i32
      %dma_wait3A_18 = arith.constant 0 : i32
      %dma_wait3A_19 = tpu.memref_slice %arg4[%add3A, %dma_wait3A_17, %dma_wait3A_18] : memref<32x125x80xi32, #tpu.memory_space<hbm>> -> memref<1x125x80xi32, #tpu.memory_space<hbm>>
      %dma_wait3A_20 = tpu.memref_squeeze %dma_wait3A_19 : memref<1x125x80xi32, #tpu.memory_space<hbm>> -> memref<125x80xi32, #tpu.memory_space<hbm>>
      tpu.wait_dma2 semaphore(%run_scoped3A : memref<!tpu.dma_semaphore, #tpu.memory_space<semaphore_mem>>) src(%dma_wait3A_20 : memref<125x80xi32, #tpu.memory_space<hbm>>) dst(%arg8 : memref<125x80xi32, #tpu.memory_space<vmem>>)
      tpu.yield
    }) : () -> ()
    "tpu.region"() ({
      %run_scoped3A = tpu.sem_alloc : memref<!tpu.dma_semaphore, #tpu.memory_space<semaphore_mem>>
      %dma_start3A = arith.constant 0 : i32
      %dma_start3A_7 = arith.constant 0 : i32
      %dma_start3A_8 = tpu.memref_slice %arg5[%add3A, %dma_start3A, %dma_start3A_7] : memref<32x125x80xi32, #tpu.memory_space<hbm>> -> memref<1x125x80xi32, #tpu.memory_space<hbm>>
      %dma_start3A_9 = tpu.memref_squeeze %dma_start3A_8 : memref<1x125x80xi32, #tpu.memory_space<hbm>> -> memref<125x80xi32, #tpu.memory_space<hbm>>
      %dma_start3A_10 = arith.constant 0 : i32
      %dma_start3A_11 = arith.constant 0 : i32
      %dma_start3A_12 = tpu.memref_slice %arg5[%add3A, %dma_start3A_10, %dma_start3A_11] : memref<32x125x80xi32, #tpu.memory_space<hbm>> -> memref<1x125x80xi32, #tpu.memory_space<hbm>>
      %dma_start3A_13 = tpu.memref_squeeze %dma_start3A_12 : memref<1x125x80xi32, #tpu.memory_space<hbm>> -> memref<125x80xi32, #tpu.memory_space<hbm>>
      tpu.enqueue_dma source(%dma_start3A_13 : memref<125x80xi32, #tpu.memory_space<hbm>>) target(%arg9 : memref<125x80xi32, #tpu.memory_space<vmem>>) target_semaphore(%run_scoped3A : memref<!tpu.dma_semaphore, #tpu.memory_space<semaphore_mem>>)
      %dma_wait3A = arith.constant 0 : i32
      %dma_wait3A_14 = arith.constant 0 : i32
      %dma_wait3A_15 = tpu.memref_slice %arg5[%add3A, %dma_wait3A, %dma_wait3A_14] : memref<32x125x80xi32, #tpu.memory_space<hbm>> -> memref<1x125x80xi32, #tpu.memory_space<hbm>>
      %dma_wait3A_16 = tpu.memref_squeeze %dma_wait3A_15 : memref<1x125x80xi32, #tpu.memory_space<hbm>> -> memref<125x80xi32, #tpu.memory_space<hbm>>
      %dma_wait3A_17 = arith.constant 0 : i32
      %dma_wait3A_18 = arith.constant 0 : i32
      %dma_wait3A_19 = tpu.memref_slice %arg5[%add3A, %dma_wait3A_17, %dma_wait3A_18] : memref<32x125x80xi32, #tpu.memory_space<hbm>> -> memref<1x125x80xi32, #tpu.memory_space<hbm>>
      %dma_wait3A_20 = tpu.memref_squeeze %dma_wait3A_19 : memref<1x125x80xi32, #tpu.memory_space<hbm>> -> memref<125x80xi32, #tpu.memory_space<hbm>>
      tpu.wait_dma2 semaphore(%run_scoped3A : memref<!tpu.dma_semaphore, #tpu.memory_space<semaphore_mem>>) src(%dma_wait3A_20 : memref<125x80xi32, #tpu.memory_space<hbm>>) dst(%arg9 : memref<125x80xi32, #tpu.memory_space<vmem>>)
      tpu.yield
    }) : () -> ()
    %scan3A = arith.constant 0 : i32
    %scan3A_3 = arith.constant 125 : i32
    %scan3A_4 = arith.addi %scan3A, %scan3A_3 : i32
    %scan3A_5 = arith.constant 1 : i32
    scf.for %scan3A_7 = %scan3A to %scan3A_4 step %scan3A_5  : i32 {
      %mul3A_8 = arith.constant 1 : i32
      %mul3A_9 = arith.muli %scan3A_7, %mul3A_8 : i32
      %add3A_10 = arith.constant 0 : i32
      %add3A_11 = arith.addi %add3A_10, %mul3A_9 : i32
      %dma_start3A = arith.constant 0 : i32
      %dma_start3A_12 = tpu.memref_slice %arg8[%add3A_11, %dma_start3A] : memref<125x80xi32, #tpu.memory_space<vmem>> -> memref<1x80xi32, #tpu.memory_space<vmem>>
      %dma_start3A_13 = tpu.memref_squeeze %dma_start3A_12 : memref<1x80xi32, #tpu.memory_space<vmem>> -> memref<80xi32, #tpu.memory_space<vmem>>
      %dma_start3A_14 = arith.constant 0 : i32
      %dma_start3A_15 = arith.constant 0 : i32
      %dma_start3A_16 = tpu.memref_slice %arg2[%dma_start3A_14, %dma_start3A_15] : memref<10000x128xf32, #tpu.memory_space<hbm>> -> memref<10000x128xf32, #tpu.memory_space<hbm>>
      tpu.enqueue_indirect_dma source(%dma_start3A_16 : memref<10000x128xf32, #tpu.memory_space<hbm>>) target(%arg10 : memref<80x128xf32, #tpu.memory_space<vmem>>) offsets(%dma_start3A_13 : memref<80xi32, #tpu.memory_space<vmem>>) semaphore(%arg12 : memref<!tpu.dma_semaphore, #tpu.memory_space<semaphore_mem>>)
      %dma_start3A_17 = arith.constant 0 : i32
      %dma_start3A_18 = tpu.memref_slice %arg9[%add3A_11, %dma_start3A_17] : memref<125x80xi32, #tpu.memory_space<vmem>> -> memref<1x80xi32, #tpu.memory_space<vmem>>
      %dma_start3A_19 = tpu.memref_squeeze %dma_start3A_18 : memref<1x80xi32, #tpu.memory_space<vmem>> -> memref<80xi32, #tpu.memory_space<vmem>>
      %dma_start3A_20 = arith.constant 0 : i32
      %dma_start3A_21 = arith.constant 0 : i32
      %dma_start3A_22 = tpu.memref_slice %arg3[%dma_start3A_20, %dma_start3A_21] : memref<10000x128xf32, #tpu.memory_space<hbm>> -> memref<10000x128xf32, #tpu.memory_space<hbm>>
      tpu.enqueue_indirect_dma source(%dma_start3A_22 : memref<10000x128xf32, #tpu.memory_space<hbm>>) target(%arg11 : memref<80x128xf32, #tpu.memory_space<vmem>>) offsets(%dma_start3A_19 : memref<80xi32, #tpu.memory_space<vmem>>) semaphore(%arg13 : memref<!tpu.dma_semaphore, #tpu.memory_space<semaphore_mem>>)
      %dma_wait3A = arith.constant 0 : i32
      %dma_wait3A_23 = tpu.memref_slice %arg8[%add3A_11, %dma_wait3A] : memref<125x80xi32, #tpu.memory_space<vmem>> -> memref<1x80xi32, #tpu.memory_space<vmem>>
      %dma_wait3A_24 = tpu.memref_squeeze %dma_wait3A_23 : memref<1x80xi32, #tpu.memory_space<vmem>> -> memref<80xi32, #tpu.memory_space<vmem>>
      %dma_wait3A_25 = arith.constant 0 : i32
      %dma_wait3A_26 = arith.constant 0 : i32
      %dma_wait3A_27 = tpu.memref_slice %arg2[%dma_wait3A_25, %dma_wait3A_26] : memref<10000x128xf32, #tpu.memory_space<hbm>> -> memref<10000x128xf32, #tpu.memory_space<hbm>>
      tpu.wait_indirect_dma semaphore(%arg12 : memref<!tpu.dma_semaphore, #tpu.memory_space<semaphore_mem>>) src(%dma_wait3A_27 : memref<10000x128xf32, #tpu.memory_space<hbm>>) dst(%arg10 : memref<80x128xf32, #tpu.memory_space<vmem>>)
      %dma_wait3A_28 = arith.constant 0 : i32
      %dma_wait3A_29 = tpu.memref_slice %arg9[%add3A_11, %dma_wait3A_28] : memref<125x80xi32, #tpu.memory_space<vmem>> -> memref<1x80xi32, #tpu.memory_space<vmem>>
      %dma_wait3A_30 = tpu.memref_squeeze %dma_wait3A_29 : memref<1x80xi32, #tpu.memory_space<vmem>> -> memref<80xi32, #tpu.memory_space<vmem>>
      %dma_wait3A_31 = arith.constant 0 : i32
      %dma_wait3A_32 = arith.constant 0 : i32
      %dma_wait3A_33 = tpu.memref_slice %arg3[%dma_wait3A_31, %dma_wait3A_32] : memref<10000x128xf32, #tpu.memory_space<hbm>> -> memref<10000x128xf32, #tpu.memory_space<hbm>>
      tpu.wait_indirect_dma semaphore(%arg13 : memref<!tpu.dma_semaphore, #tpu.memory_space<semaphore_mem>>) src(%dma_wait3A_33 : memref<10000x128xf32, #tpu.memory_space<hbm>>) dst(%arg11 : memref<80x128xf32, #tpu.memory_space<vmem>>)
      %add3A_34 = arith.addi %mul3A_2, %add3A_11 : i32
      %mul3A_35 = arith.constant 80 : i32
      %mul3A_36 = arith.muli %add3A_34, %mul3A_35 : i32
      %dma_start3A_37 = arith.constant 0 : i32
      %dma_start3A_38 = tpu.memref_slice %arg6[%mul3A_36, %dma_start3A_37] : memref<320000x128xf32, #tpu.memory_space<hbm>> -> memref<80x128xf32, #tpu.memory_space<hbm>>
      %dma_start3A_39 = arith.constant 0 : i32
      %dma_start3A_40 = tpu.memref_slice %arg6[%mul3A_36, %dma_start3A_39] : memref<320000x128xf32, #tpu.memory_space<hbm>> -> memref<80x128xf32, #tpu.memory_space<hbm>>
      tpu.enqueue_dma source(%arg10 : memref<80x128xf32, #tpu.memory_space<vmem>>) target(%dma_start3A_40 : memref<80x128xf32, #tpu.memory_space<hbm>>) target_semaphore(%arg12 : memref<!tpu.dma_semaphore, #tpu.memory_space<semaphore_mem>>)
      %dma_start3A_41 = arith.constant 0 : i32
      %dma_start3A_42 = tpu.memref_slice %arg7[%mul3A_36, %dma_start3A_41] : memref<320000x128xf32, #tpu.memory_space<hbm>> -> memref<80x128xf32, #tpu.memory_space<hbm>>
      %dma_start3A_43 = arith.constant 0 : i32
      %dma_start3A_44 = tpu.memref_slice %arg7[%mul3A_36, %dma_start3A_43] : memref<320000x128xf32, #tpu.memory_space<hbm>> -> memref<80x128xf32, #tpu.memory_space<hbm>>
      tpu.enqueue_dma source(%arg11 : memref<80x128xf32, #tpu.memory_space<vmem>>) target(%dma_start3A_44 : memref<80x128xf32, #tpu.memory_space<hbm>>) target_semaphore(%arg13 : memref<!tpu.dma_semaphore, #tpu.memory_space<semaphore_mem>>)
      %dma_wait3A_45 = arith.constant 0 : i32
      %dma_wait3A_46 = tpu.memref_slice %arg6[%mul3A_36, %dma_wait3A_45] : memref<320000x128xf32, #tpu.memory_space<hbm>> -> memref<80x128xf32, #tpu.memory_space<hbm>>
      %dma_wait3A_47 = arith.constant 0 : i32
      %dma_wait3A_48 = tpu.memref_slice %arg6[%mul3A_36, %dma_wait3A_47] : memref<320000x128xf32, #tpu.memory_space<hbm>> -> memref<80x128xf32, #tpu.memory_space<hbm>>
      tpu.wait_dma2 semaphore(%arg12 : memref<!tpu.dma_semaphore, #tpu.memory_space<semaphore_mem>>) src(%arg10 : memref<80x128xf32, #tpu.memory_space<vmem>>) dst(%dma_wait3A_48 : memref<80x128xf32, #tpu.memory_space<hbm>>)
      %dma_wait3A_49 = arith.constant 0 : i32
      %dma_wait3A_50 = tpu.memref_slice %arg7[%mul3A_36, %dma_wait3A_49] : memref<320000x128xf32, #tpu.memory_space<hbm>> -> memref<80x128xf32, #tpu.memory_space<hbm>>
      %dma_wait3A_51 = arith.constant 0 : i32
      %dma_wait3A_52 = tpu.memref_slice %arg7[%mul3A_36, %dma_wait3A_51] : memref<320000x128xf32, #tpu.memory_space<hbm>> -> memref<80x128xf32, #tpu.memory_space<hbm>>
      tpu.wait_dma2 semaphore(%arg13 : memref<!tpu.dma_semaphore, #tpu.memory_space<semaphore_mem>>) src(%arg11 : memref<80x128xf32, #tpu.memory_space<vmem>>) dst(%dma_wait3A_52 : memref<80x128xf32, #tpu.memory_space<hbm>>)
    }
    %scan3A_6 = arith.constant 125 : i32
    return
  }
}

module attributes {stable_mosaic.version = 14 : i64} {
  func.func @_proj_body(%arg0: i32, %arg1: memref<2000x128xf32, #tpu.memory_space<vmem>>, %arg2: memref<128x128xf32, #tpu.memory_space<vmem>>, %arg3: memref<128x128xf32, #tpu.memory_space<vmem>>, %arg4: memref<2000x128xf32, #tpu.memory_space<vmem>>, %arg5: memref<2000x128xf32, #tpu.memory_space<vmem>>) attributes {dimension_semantics = [#tpu.dimension_semantics<arbitrary>], iteration_bounds = array<i64: 5>, scalar_prefetch = 0 : i64, scratch_operands = 0 : i64, tpu.core_type = #tpu.core_type<tc>, window_params = [{transform_indices = @transform_0, window_bounds = array<i64: 2000, 128>}, {pipeline_mode = #tpu.pipeline_mode<synchronous>, transform_indices = @transform_1, window_bounds = array<i64: 128, 128>}, {pipeline_mode = #tpu.pipeline_mode<synchronous>, transform_indices = @transform_2, window_bounds = array<i64: 128, 128>}, {transform_indices = @transform_3, window_bounds = array<i64: 2000, 128>}, {transform_indices = @transform_4, window_bounds = array<i64: 2000, 128>}]} {
    %get3A = arith.constant 0 : index
    %get3A_0 = arith.constant 0 : index
    %get3A_1 = vector.load %arg1[%get3A, %get3A_0] : memref<2000x128xf32, #tpu.memory_space<vmem>>, vector<2000x128xf32>
    %get3A_2 = arith.constant 0 : index
    %get3A_3 = arith.constant 0 : index
    %get3A_4 = vector.load %arg2[%get3A_2, %get3A_3] : memref<128x128xf32, #tpu.memory_space<vmem>>, vector<128x128xf32>
    %dot_general3A = arith.constant dense<0.000000e+00> : vector<2000x128xf32>
    %dot_general3A_5 = tpu.matmul %get3A_1, %get3A_4, %dot_general3A {dimension_numbers = #tpu.dot_dimension_numbers<[1], [0], [0], [1], [0, 0, 1, 1], [], []>, transpose_lhs_hint = false} : vector<2000x128xf32>, vector<128x128xf32>, vector<2000x128xf32> -> vector<2000x128xf32>
    %swap3A = arith.constant 0 : index
    %swap3A_6 = arith.constant 0 : index
    %swap3A_7 = vector.load %arg4[%swap3A, %swap3A_6] : memref<2000x128xf32, #tpu.memory_space<vmem>>, vector<2000x128xf32>
    tpu.vector_store %arg4[%swap3A, %swap3A_6], %dot_general3A_5 {strides = array<i32>} : memref<2000x128xf32, #tpu.memory_space<vmem>>, vector<2000x128xf32>,
    %get3A_8 = arith.constant 0 : index
    %get3A_9 = arith.constant 0 : index
    %get3A_10 = vector.load %arg3[%get3A_8, %get3A_9] : memref<128x128xf32, #tpu.memory_space<vmem>>, vector<128x128xf32>
    %dot_general3A_11 = arith.constant dense<0.000000e+00> : vector<2000x128xf32>
    %dot_general3A_12 = tpu.matmul %get3A_1, %get3A_10, %dot_general3A_11 {dimension_numbers = #tpu.dot_dimension_numbers<[1], [0], [0], [1], [0, 0, 1, 1], [], []>, transpose_lhs_hint = false} : vector<2000x128xf32>, vector<128x128xf32>, vector<2000x128xf32> -> vector<2000x128xf32>
    %swap3A_13 = arith.constant 0 : index
    %swap3A_14 = arith.constant 0 : index
    %swap3A_15 = vector.load %arg5[%swap3A_13, %swap3A_14] : memref<2000x128xf32, #tpu.memory_space<vmem>>, vector<2000x128xf32>
    tpu.vector_store %arg5[%swap3A_13, %swap3A_14], %dot_general3A_12 {strides = array<i32>} : memref<2000x128xf32, #tpu.memory_space<vmem>>, vector<2000x128xf32>,
    return
  }
  func.func @transform_0(%arg0: i32) -> (i32, i32) {
    %c0_i32 = arith.constant 0 : i32
    %c0_i32_0 = arith.constant 0 : i32
    return %arg0, %c0_i32 : i32, i32
  }
  func.func @transform_1(%arg0: i32) -> (i32, i32) {
    %c0_i32 = arith.constant 0 : i32
    %c0_i32_0 = arith.constant 0 : i32
    %c0_i32_1 = arith.constant 0 : i32
    return %c0_i32, %c0_i32_0 : i32, i32
  }
  func.func @transform_2(%arg0: i32) -> (i32, i32) {
    %c0_i32 = arith.constant 0 : i32
    %c0_i32_0 = arith.constant 0 : i32
    %c0_i32_1 = arith.constant 0 : i32
    return %c0_i32, %c0_i32_0 : i32, i32
  }
  func.func @transform_3(%arg0: i32) -> (i32, i32) {
    %c0_i32 = arith.constant 0 : i32
    %c0_i32_0 = arith.constant 0 : i32
    return %arg0, %c0_i32 : i32, i32
  }
  func.func @transform_4(%arg0: i32) -> (i32, i32) {
    %c0_i32 = arith.constant 0 : i32
    %c0_i32_0 = arith.constant 0 : i32
    return %arg0, %c0_i32 : i32, i32
  }
}

module attributes {stable_mosaic.version = 14 : i64} {
  func.func @_edge_body(%arg0: i32, %arg1: memref<3200x128xf32, #tpu.memory_space<vmem>>, %arg2: memref<3200x128xf32, #tpu.memory_space<vmem>>, %arg3: memref<3200x128xf32, #tpu.memory_space<vmem>>, %arg4: memref<128x128xf32, #tpu.memory_space<vmem>>, %arg5: memref<128x128xf32, #tpu.memory_space<vmem>>, %arg6: memref<1x128xf32, #tpu.memory_space<vmem>>, %arg7: memref<1x128xf32, #tpu.memory_space<vmem>>, %arg8: memref<1x128xf32, #tpu.memory_space<vmem>>, %arg9: memref<1x128xf32, #tpu.memory_space<vmem>>, %arg10: memref<3200x128xf32, #tpu.memory_space<vmem>>, %arg11: memref<3200x128xf32, #tpu.memory_space<vmem>>) attributes {dimension_semantics = [#tpu.dimension_semantics<arbitrary>], iteration_bounds = array<i64: 100>, scalar_prefetch = 0 : i64, scratch_operands = 0 : i64, tpu.core_type = #tpu.core_type<tc>, window_params = [{transform_indices = @transform_0, window_bounds = array<i64: 3200, 128>}, {transform_indices = @transform_1, window_bounds = array<i64: 3200, 128>}, {transform_indices = @transform_2, window_bounds = array<i64: 3200, 128>}, {pipeline_mode = #tpu.pipeline_mode<synchronous>, transform_indices = @transform_3, window_bounds = array<i64: 128, 128>}, {pipeline_mode = #tpu.pipeline_mode<synchronous>, transform_indices = @transform_4, window_bounds = array<i64: 128, 128>}, {pipeline_mode = #tpu.pipeline_mode<synchronous>, transform_indices = @transform_5, window_bounds = array<i64: 1, 128>}, {pipeline_mode = #tpu.pipeline_mode<synchronous>, transform_indices = @transform_6, window_bounds = array<i64: 1, 128>}, {pipeline_mode = #tpu.pipeline_mode<synchronous>, transform_indices = @transform_7, window_bounds = array<i64: 1, 128>}, {pipeline_mode = #tpu.pipeline_mode<synchronous>, transform_indices = @transform_8, window_bounds = array<i64: 1, 128>}, {transform_indices = @transform_9, window_bounds = array<i64: 3200, 128>}, {transform_indices = @transform_10, window_bounds = array<i64: 3200, 128>}]} {
    %get3A = arith.constant 0 : index
    %get3A_0 = arith.constant 0 : index
    %get3A_1 = vector.load %arg3[%get3A, %get3A_0] : memref<3200x128xf32, #tpu.memory_space<vmem>>, vector<3200x128xf32>
    %get3A_2 = arith.constant 0 : index
    %get3A_3 = arith.constant 0 : index
    %get3A_4 = vector.load %arg1[%get3A_2, %get3A_3] : memref<3200x128xf32, #tpu.memory_space<vmem>>, vector<3200x128xf32>
    %get3A_5 = arith.constant 0 : index
    %get3A_6 = arith.constant 0 : index
    %get3A_7 = vector.load %arg2[%get3A_5, %get3A_6] : memref<3200x128xf32, #tpu.memory_space<vmem>>, vector<3200x128xf32>
    %add3A = arith.addf %get3A_4, %get3A_7 : vector<3200x128xf32>
    %get3A_8 = arith.constant 0 : index
    %get3A_9 = arith.constant 0 : index
    %get3A_10 = vector.load %arg6[%get3A_8, %get3A_9] : memref<1x128xf32, #tpu.memory_space<vmem>>, vector<1x128xf32>
    %add3A_11 = vector.broadcast %get3A_10 : vector<1x128xf32> to vector<3200x128xf32>
    %add3A_12 = arith.addf %add3A, %add3A_11 : vector<3200x128xf32>
    %get3A_13 = arith.constant 0 : index
    %get3A_14 = arith.constant 0 : index
    %get3A_15 = vector.load %arg4[%get3A_13, %get3A_14] : memref<128x128xf32, #tpu.memory_space<vmem>>, vector<128x128xf32>
    %dot_general3A = arith.constant dense<0.000000e+00> : vector<3200x128xf32>
    %dot_general3A_16 = tpu.matmul %get3A_1, %get3A_15, %dot_general3A {dimension_numbers = #tpu.dot_dimension_numbers<[1], [0], [0], [1], [0, 0, 1, 1], [], []>, transpose_lhs_hint = false} : vector<3200x128xf32>, vector<128x128xf32>, vector<3200x128xf32> -> vector<3200x128xf32>
    %add3A_17 = arith.addf %add3A_12, %dot_general3A_16 : vector<3200x128xf32>
    %max3A = arith.constant 0.000000e+00 : f32
    %max3A_18 = vector.broadcast %max3A : f32 to vector<3200x128xf32>
    %max3A_19 = arith.maximumf %add3A_17, %max3A_18 : vector<3200x128xf32>
    %get3A_20 = arith.constant 0 : index
    %get3A_21 = arith.constant 0 : index
    %get3A_22 = vector.load %arg5[%get3A_20, %get3A_21] : memref<128x128xf32, #tpu.memory_space<vmem>>, vector<128x128xf32>
    %dot_general3A_23 = arith.constant dense<0.000000e+00> : vector<3200x128xf32>
    %dot_general3A_24 = tpu.matmul %max3A_19, %get3A_22, %dot_general3A_23 {dimension_numbers = #tpu.dot_dimension_numbers<[1], [0], [0], [1], [0, 0, 1, 1], [], []>, transpose_lhs_hint = false} : vector<3200x128xf32>, vector<128x128xf32>, vector<3200x128xf32> -> vector<3200x128xf32>
    %get3A_25 = arith.constant 0 : index
    %get3A_26 = arith.constant 0 : index
    %get3A_27 = vector.load %arg7[%get3A_25, %get3A_26] : memref<1x128xf32, #tpu.memory_space<vmem>>, vector<1x128xf32>
    %add3A_28 = vector.broadcast %get3A_27 : vector<1x128xf32> to vector<3200x128xf32>
    %add3A_29 = arith.addf %dot_general3A_24, %add3A_28 : vector<3200x128xf32>
    %max3A_30 = arith.constant 0.000000e+00 : f32
    %max3A_31 = vector.broadcast %max3A_30 : f32 to vector<3200x128xf32>
    %max3A_32 = arith.maximumf %add3A_29, %max3A_31 : vector<3200x128xf32>
    %reduce_sum3A = arith.constant dense<0.000000e+00> : vector<3200xf32>
    %reduce_sum3A_33 = vector.multi_reduction <add>, %max3A_32, %reduce_sum3A [1] : vector<3200x128xf32> to vector<3200xf32>
    %broadcast_in_dim3A = vector.shape_cast %reduce_sum3A_33 : vector<3200xf32> to vector<3200x1xf32>
    %div3A = arith.constant 1.280000e+02 : f32
    %div3A_34 = vector.broadcast %div3A : f32 to vector<3200x1xf32>
    %div3A_35 = arith.divf %broadcast_in_dim3A, %div3A_34 : vector<3200x1xf32>
    %sub3A = vector.broadcast %div3A_35 : vector<3200x1xf32> to vector<3200x128xf32>
    %sub3A_36 = arith.subf %max3A_32, %sub3A : vector<3200x128xf32>
    %sub3A_37 = vector.broadcast %div3A_35 : vector<3200x1xf32> to vector<3200x128xf32>
    %sub3A_38 = arith.subf %max3A_32, %sub3A_37 : vector<3200x128xf32>
    %mul3A = arith.mulf %sub3A_36, %sub3A_38 : vector<3200x128xf32>
    %reduce_sum3A_39 = arith.constant dense<0.000000e+00> : vector<3200xf32>
    %reduce_sum3A_40 = vector.multi_reduction <add>, %mul3A, %reduce_sum3A_39 [1] : vector<3200x128xf32> to vector<3200xf32>
    %broadcast_in_dim3A_41 = vector.shape_cast %reduce_sum3A_40 : vector<3200xf32> to vector<3200x1xf32>
    %div3A_42 = arith.constant 1.280000e+02 : f32
    %div3A_43 = vector.broadcast %div3A_42 : f32 to vector<3200x1xf32>
    %div3A_44 = arith.divf %broadcast_in_dim3A_41, %div3A_43 : vector<3200x1xf32>
    %sub3A_45 = vector.broadcast %div3A_35 : vector<3200x1xf32> to vector<3200x128xf32>
    %sub3A_46 = arith.subf %max3A_32, %sub3A_45 : vector<3200x128xf32>
    %add3A_47 = arith.constant 9.99999974E-6 : f32
    %add3A_48 = vector.broadcast %add3A_47 : f32 to vector<3200x1xf32>
    %add3A_49 = arith.addf %div3A_44, %add3A_48 : vector<3200x1xf32>
    %rsqrt3A = math.rsqrt %add3A_49 : vector<3200x1xf32>
    %mul3A_50 = vector.broadcast %rsqrt3A : vector<3200x1xf32> to vector<3200x128xf32>
    %mul3A_51 = arith.mulf %sub3A_46, %mul3A_50 : vector<3200x128xf32>
    %get3A_52 = arith.constant 0 : index
    %get3A_53 = arith.constant 0 : index
    %get3A_54 = vector.load %arg8[%get3A_52, %get3A_53] : memref<1x128xf32, #tpu.memory_space<vmem>>, vector<1x128xf32>
    %mul3A_55 = vector.broadcast %get3A_54 : vector<1x128xf32> to vector<3200x128xf32>
    %mul3A_56 = arith.mulf %mul3A_51, %mul3A_55 : vector<3200x128xf32>
    %get3A_57 = arith.constant 0 : index
    %get3A_58 = arith.constant 0 : index
    %get3A_59 = vector.load %arg9[%get3A_57, %get3A_58] : memref<1x128xf32, #tpu.memory_space<vmem>>, vector<1x128xf32>
    %add3A_60 = vector.broadcast %get3A_59 : vector<1x128xf32> to vector<3200x128xf32>
    %add3A_61 = arith.addf %mul3A_56, %add3A_60 : vector<3200x128xf32>
    %swap3A = arith.constant 0 : index
    %swap3A_62 = arith.constant 0 : index
    %swap3A_63 = vector.load %arg10[%swap3A, %swap3A_62] : memref<3200x128xf32, #tpu.memory_space<vmem>>, vector<3200x128xf32>
    tpu.vector_store %arg10[%swap3A, %swap3A_62], %add3A_61 {strides = array<i32>} : memref<3200x128xf32, #tpu.memory_space<vmem>>, vector<3200x128xf32>,
    %add3A_64 = arith.addf %add3A_61, %get3A_1 : vector<3200x128xf32>
    %swap3A_65 = arith.constant 0 : index
    %swap3A_66 = arith.constant 0 : index
    %swap3A_67 = vector.load %arg11[%swap3A_65, %swap3A_66] : memref<3200x128xf32, #tpu.memory_space<vmem>>, vector<3200x128xf32>
    tpu.vector_store %arg11[%swap3A_65, %swap3A_66], %add3A_64 {strides = array<i32>} : memref<3200x128xf32, #tpu.memory_space<vmem>>, vector<3200x128xf32>,
    return
  }
  func.func @transform_0(%arg0: i32) -> (i32, i32) {
    %c0_i32 = arith.constant 0 : i32
    %c0_i32_0 = arith.constant 0 : i32
    return %arg0, %c0_i32 : i32, i32
  }
  func.func @transform_1(%arg0: i32) -> (i32, i32) {
    %c0_i32 = arith.constant 0 : i32
    %c0_i32_0 = arith.constant 0 : i32
    return %arg0, %c0_i32 : i32, i32
  }
  func.func @transform_2(%arg0: i32) -> (i32, i32) {
    %c0_i32 = arith.constant 0 : i32
    %c0_i32_0 = arith.constant 0 : i32
    return %arg0, %c0_i32 : i32, i32
  }
  func.func @transform_3(%arg0: i32) -> (i32, i32) {
    %c0_i32 = arith.constant 0 : i32
    %c0_i32_0 = arith.constant 0 : i32
    %c0_i32_1 = arith.constant 0 : i32
    return %c0_i32, %c0_i32_0 : i32, i32
  }
  func.func @transform_4(%arg0: i32) -> (i32, i32) {
    %c0_i32 = arith.constant 0 : i32
    %c0_i32_0 = arith.constant 0 : i32
    %c0_i32_1 = arith.constant 0 : i32
    return %c0_i32, %c0_i32_0 : i32, i32
  }
  func.func @transform_5(%arg0: i32) -> (i32, i32) {
    %c0_i32 = arith.constant 0 : i32
    %c0_i32_0 = arith.constant 0 : i32
    %c0_i32_1 = arith.constant 0 : i32
    return %c0_i32, %c0_i32_0 : i32, i32
  }
  func.func @transform_6(%arg0: i32) -> (i32, i32) {
    %c0_i32 = arith.constant 0 : i32
    %c0_i32_0 = arith.constant 0 : i32
    %c0_i32_1 = arith.constant 0 : i32
    return %c0_i32, %c0_i32_0 : i32, i32
  }
  func.func @transform_7(%arg0: i32) -> (i32, i32) {
    %c0_i32 = arith.constant 0 : i32
    %c0_i32_0 = arith.constant 0 : i32
    %c0_i32_1 = arith.constant 0 : i32
    return %c0_i32, %c0_i32_0 : i32, i32
  }
  func.func @transform_8(%arg0: i32) -> (i32, i32) {
    %c0_i32 = arith.constant 0 : i32
    %c0_i32_0 = arith.constant 0 : i32
    %c0_i32_1 = arith.constant 0 : i32
    return %c0_i32, %c0_i32_0 : i32, i32
  }
  func.func @transform_9(%arg0: i32) -> (i32, i32) {
    %c0_i32 = arith.constant 0 : i32
    %c0_i32_0 = arith.constant 0 : i32
    return %arg0, %c0_i32 : i32, i32
  }
  func.func @transform_10(%arg0: i32) -> (i32, i32) {
    %c0_i32 = arith.constant 0 : i32
    %c0_i32_0 = arith.constant 0 : i32
    return %arg0, %c0_i32 : i32, i32
  }
}

module attributes {stable_mosaic.version = 14 : i64} {
  func.func @_node_body(%arg0: i32, %arg1: memref<2000x128xf32, #tpu.memory_space<vmem>>, %arg2: memref<2x2000x128xf32, #tpu.memory_space<vmem>>, %arg3: memref<128x128xf32, #tpu.memory_space<vmem>>, %arg4: memref<128x128xf32, #tpu.memory_space<vmem>>, %arg5: memref<128x128xf32, #tpu.memory_space<vmem>>, %arg6: memref<1x128xf32, #tpu.memory_space<vmem>>, %arg7: memref<1x128xf32, #tpu.memory_space<vmem>>, %arg8: memref<1x128xf32, #tpu.memory_space<vmem>>, %arg9: memref<1x128xf32, #tpu.memory_space<vmem>>, %arg10: memref<2000x128xf32, #tpu.memory_space<vmem>>) attributes {dimension_semantics = [#tpu.dimension_semantics<arbitrary>], iteration_bounds = array<i64: 5>, scalar_prefetch = 0 : i64, scratch_operands = 0 : i64, tpu.core_type = #tpu.core_type<tc>, window_params = [{transform_indices = @transform_0, window_bounds = array<i64: 2000, 128>}, {transform_indices = @transform_1, window_bounds = array<i64: 2, 2000, 128>}, {pipeline_mode = #tpu.pipeline_mode<synchronous>, transform_indices = @transform_2, window_bounds = array<i64: 128, 128>}, {pipeline_mode = #tpu.pipeline_mode<synchronous>, transform_indices = @transform_3, window_bounds = array<i64: 128, 128>}, {pipeline_mode = #tpu.pipeline_mode<synchronous>, transform_indices = @transform_4, window_bounds = array<i64: 128, 128>}, {pipeline_mode = #tpu.pipeline_mode<synchronous>, transform_indices = @transform_5, window_bounds = array<i64: 1, 128>}, {pipeline_mode = #tpu.pipeline_mode<synchronous>, transform_indices = @transform_6, window_bounds = array<i64: 1, 128>}, {pipeline_mode = #tpu.pipeline_mode<synchronous>, transform_indices = @transform_7, window_bounds = array<i64: 1, 128>}, {pipeline_mode = #tpu.pipeline_mode<synchronous>, transform_indices = @transform_8, window_bounds = array<i64: 1, 128>}, {transform_indices = @transform_9, window_bounds = array<i64: 2000, 128>}]} {
    %get3A = arith.constant 0 : index
    %get3A_0 = arith.constant 0 : index
    %get3A_1 = vector.load %arg1[%get3A, %get3A_0] : memref<2000x128xf32, #tpu.memory_space<vmem>>, vector<2000x128xf32>
    %get3A_2 = arith.constant 0 : index
    %get3A_3 = arith.constant 0 : index
    %get3A_4 = arith.constant 0 : index
    %get3A_5 = vector.load %arg2[%get3A_2, %get3A_3, %get3A_4] : memref<2x2000x128xf32, #tpu.memory_space<vmem>>, vector<1x2000x128xf32>
    %get3A_6 = vector.shape_cast %get3A_5 : vector<1x2000x128xf32> to vector<2000x128xf32>
    %get3A_7 = arith.constant 1 : index
    %get3A_8 = arith.constant 0 : index
    %get3A_9 = arith.constant 0 : index
    %get3A_10 = vector.load %arg2[%get3A_7, %get3A_8, %get3A_9] : memref<2x2000x128xf32, #tpu.memory_space<vmem>>, vector<1x2000x128xf32>
    %get3A_11 = vector.shape_cast %get3A_10 : vector<1x2000x128xf32> to vector<2000x128xf32>
    %add3A = arith.addf %get3A_6, %get3A_11 : vector<2000x128xf32>
    %get3A_12 = arith.constant 0 : index
    %get3A_13 = arith.constant 0 : index
    %get3A_14 = vector.load %arg3[%get3A_12, %get3A_13] : memref<128x128xf32, #tpu.memory_space<vmem>>, vector<128x128xf32>
    %dot_general3A = arith.constant dense<0.000000e+00> : vector<2000x128xf32>
    %dot_general3A_15 = tpu.matmul %get3A_1, %get3A_14, %dot_general3A {dimension_numbers = #tpu.dot_dimension_numbers<[1], [0], [0], [1], [0, 0, 1, 1], [], []>, transpose_lhs_hint = false} : vector<2000x128xf32>, vector<128x128xf32>, vector<2000x128xf32> -> vector<2000x128xf32>
    %get3A_16 = arith.constant 0 : index
    %get3A_17 = arith.constant 0 : index
    %get3A_18 = vector.load %arg4[%get3A_16, %get3A_17] : memref<128x128xf32, #tpu.memory_space<vmem>>, vector<128x128xf32>
    %dot_general3A_19 = arith.constant dense<0.000000e+00> : vector<2000x128xf32>
    %dot_general3A_20 = tpu.matmul %add3A, %get3A_18, %dot_general3A_19 {dimension_numbers = #tpu.dot_dimension_numbers<[1], [0], [0], [1], [0, 0, 1, 1], [], []>, transpose_lhs_hint = false} : vector<2000x128xf32>, vector<128x128xf32>, vector<2000x128xf32> -> vector<2000x128xf32>
    %add3A_21 = arith.addf %dot_general3A_15, %dot_general3A_20 : vector<2000x128xf32>
    %get3A_22 = arith.constant 0 : index
    %get3A_23 = arith.constant 0 : index
    %get3A_24 = vector.load %arg6[%get3A_22, %get3A_23] : memref<1x128xf32, #tpu.memory_space<vmem>>, vector<1x128xf32>
    %add3A_25 = vector.broadcast %get3A_24 : vector<1x128xf32> to vector<2000x128xf32>
    %add3A_26 = arith.addf %add3A_21, %add3A_25 : vector<2000x128xf32>
    %max3A = arith.constant 0.000000e+00 : f32
    %max3A_27 = vector.broadcast %max3A : f32 to vector<2000x128xf32>
    %max3A_28 = arith.maximumf %add3A_26, %max3A_27 : vector<2000x128xf32>
    %get3A_29 = arith.constant 0 : index
    %get3A_30 = arith.constant 0 : index
    %get3A_31 = vector.load %arg5[%get3A_29, %get3A_30] : memref<128x128xf32, #tpu.memory_space<vmem>>, vector<128x128xf32>
    %dot_general3A_32 = arith.constant dense<0.000000e+00> : vector<2000x128xf32>
    %dot_general3A_33 = tpu.matmul %max3A_28, %get3A_31, %dot_general3A_32 {dimension_numbers = #tpu.dot_dimension_numbers<[1], [0], [0], [1], [0, 0, 1, 1], [], []>, transpose_lhs_hint = false} : vector<2000x128xf32>, vector<128x128xf32>, vector<2000x128xf32> -> vector<2000x128xf32>
    %get3A_34 = arith.constant 0 : index
    %get3A_35 = arith.constant 0 : index
    %get3A_36 = vector.load %arg7[%get3A_34, %get3A_35] : memref<1x128xf32, #tpu.memory_space<vmem>>, vector<1x128xf32>
    %add3A_37 = vector.broadcast %get3A_36 : vector<1x128xf32> to vector<2000x128xf32>
    %add3A_38 = arith.addf %dot_general3A_33, %add3A_37 : vector<2000x128xf32>
    %max3A_39 = arith.constant 0.000000e+00 : f32
    %max3A_40 = vector.broadcast %max3A_39 : f32 to vector<2000x128xf32>
    %max3A_41 = arith.maximumf %add3A_38, %max3A_40 : vector<2000x128xf32>
    %reduce_sum3A = arith.constant dense<0.000000e+00> : vector<2000xf32>
    %reduce_sum3A_42 = vector.multi_reduction <add>, %max3A_41, %reduce_sum3A [1] : vector<2000x128xf32> to vector<2000xf32>
    %broadcast_in_dim3A = vector.shape_cast %reduce_sum3A_42 : vector<2000xf32> to vector<2000x1xf32>
    %div3A = arith.constant 1.280000e+02 : f32
    %div3A_43 = vector.broadcast %div3A : f32 to vector<2000x1xf32>
    %div3A_44 = arith.divf %broadcast_in_dim3A, %div3A_43 : vector<2000x1xf32>
    %sub3A = vector.broadcast %div3A_44 : vector<2000x1xf32> to vector<2000x128xf32>
    %sub3A_45 = arith.subf %max3A_41, %sub3A : vector<2000x128xf32>
    %sub3A_46 = vector.broadcast %div3A_44 : vector<2000x1xf32> to vector<2000x128xf32>
    %sub3A_47 = arith.subf %max3A_41, %sub3A_46 : vector<2000x128xf32>
    %mul3A = arith.mulf %sub3A_45, %sub3A_47 : vector<2000x128xf32>
    %reduce_sum3A_48 = arith.constant dense<0.000000e+00> : vector<2000xf32>
    %reduce_sum3A_49 = vector.multi_reduction <add>, %mul3A, %reduce_sum3A_48 [1] : vector<2000x128xf32> to vector<2000xf32>
    %broadcast_in_dim3A_50 = vector.shape_cast %reduce_sum3A_49 : vector<2000xf32> to vector<2000x1xf32>
    %div3A_51 = arith.constant 1.280000e+02 : f32
    %div3A_52 = vector.broadcast %div3A_51 : f32 to vector<2000x1xf32>
    %div3A_53 = arith.divf %broadcast_in_dim3A_50, %div3A_52 : vector<2000x1xf32>
    %sub3A_54 = vector.broadcast %div3A_44 : vector<2000x1xf32> to vector<2000x128xf32>
    %sub3A_55 = arith.subf %max3A_41, %sub3A_54 : vector<2000x128xf32>
    %add3A_56 = arith.constant 9.99999974E-6 : f32
    %add3A_57 = vector.broadcast %add3A_56 : f32 to vector<2000x1xf32>
    %add3A_58 = arith.addf %div3A_53, %add3A_57 : vector<2000x1xf32>
    %rsqrt3A = math.rsqrt %add3A_58 : vector<2000x1xf32>
    %mul3A_59 = vector.broadcast %rsqrt3A : vector<2000x1xf32> to vector<2000x128xf32>
    %mul3A_60 = arith.mulf %sub3A_55, %mul3A_59 : vector<2000x128xf32>
    %get3A_61 = arith.constant 0 : index
    %get3A_62 = arith.constant 0 : index
    %get3A_63 = vector.load %arg8[%get3A_61, %get3A_62] : memref<1x128xf32, #tpu.memory_space<vmem>>, vector<1x128xf32>
    %mul3A_64 = vector.broadcast %get3A_63 : vector<1x128xf32> to vector<2000x128xf32>
    %mul3A_65 = arith.mulf %mul3A_60, %mul3A_64 : vector<2000x128xf32>
    %get3A_66 = arith.constant 0 : index
    %get3A_67 = arith.constant 0 : index
    %get3A_68 = vector.load %arg9[%get3A_66, %get3A_67] : memref<1x128xf32, #tpu.memory_space<vmem>>, vector<1x128xf32>
    %add3A_69 = vector.broadcast %get3A_68 : vector<1x128xf32> to vector<2000x128xf32>
    %add3A_70 = arith.addf %mul3A_65, %add3A_69 : vector<2000x128xf32>
    %add3A_71 = arith.addf %add3A_70, %get3A_1 : vector<2000x128xf32>
    %swap3A = arith.constant 0 : index
    %swap3A_72 = arith.constant 0 : index
    %swap3A_73 = vector.load %arg10[%swap3A, %swap3A_72] : memref<2000x128xf32, #tpu.memory_space<vmem>>, vector<2000x128xf32>
    tpu.vector_store %arg10[%swap3A, %swap3A_72], %add3A_71 {strides = array<i32>} : memref<2000x128xf32, #tpu.memory_space<vmem>>, vector<2000x128xf32>,
    return
  }
  func.func @transform_0(%arg0: i32) -> (i32, i32) {
    %c0_i32 = arith.constant 0 : i32
    %c0_i32_0 = arith.constant 0 : i32
    return %arg0, %c0_i32 : i32, i32
  }
  func.func @transform_1(%arg0: i32) -> (i32, i32, i32) {
    %c0_i32 = arith.constant 0 : i32
    %c0_i32_0 = arith.constant 0 : i32
    %c0_i32_1 = arith.constant 0 : i32
    return %c0_i32, %arg0, %c0_i32_0 : i32, i32, i32
  }
  func.func @transform_2(%arg0: i32) -> (i32, i32) {
    %c0_i32 = arith.constant 0 : i32
    %c0_i32_0 = arith.constant 0 : i32
    %c0_i32_1 = arith.constant 0 : i32
    return %c0_i32, %c0_i32_0 : i32, i32
  }
  func.func @transform_3(%arg0: i32) -> (i32, i32) {
    %c0_i32 = arith.constant 0 : i32
    %c0_i32_0 = arith.constant 0 : i32
    %c0_i32_1 = arith.constant 0 : i32
    return %c0_i32, %c0_i32_0 : i32, i32
  }
  func.func @transform_4(%arg0: i32) -> (i32, i32) {
    %c0_i32 = arith.constant 0 : i32
    %c0_i32_0 = arith.constant 0 : i32
    %c0_i32_1 = arith.constant 0 : i32
    return %c0_i32, %c0_i32_0 : i32, i32
  }
  func.func @transform_5(%arg0: i32) -> (i32, i32) {
    %c0_i32 = arith.constant 0 : i32
    %c0_i32_0 = arith.constant 0 : i32
    %c0_i32_1 = arith.constant 0 : i32
    return %c0_i32, %c0_i32_0 : i32, i32
  }
  func.func @transform_6(%arg0: i32) -> (i32, i32) {
    %c0_i32 = arith.constant 0 : i32
    %c0_i32_0 = arith.constant 0 : i32
    %c0_i32_1 = arith.constant 0 : i32
    return %c0_i32, %c0_i32_0 : i32, i32
  }
  func.func @transform_7(%arg0: i32) -> (i32, i32) {
    %c0_i32 = arith.constant 0 : i32
    %c0_i32_0 = arith.constant 0 : i32
    %c0_i32_1 = arith.constant 0 : i32
    return %c0_i32, %c0_i32_0 : i32, i32
  }
  func.func @transform_8(%arg0: i32) -> (i32, i32) {
    %c0_i32 = arith.constant 0 : i32
    %c0_i32_0 = arith.constant 0 : i32
    %c0_i32_1 = arith.constant 0 : i32
    return %c0_i32, %c0_i32_0 : i32, i32
  }
  func.func @transform_9(%arg0: i32) -> (i32, i32) {
    %c0_i32 = arith.constant 0 : i32
    %c0_i32_0 = arith.constant 0 : i32
    return %arg0, %c0_i32 : i32, i32
  }
}

</mosaic_0001>

<sc_bundles>
// kernel: kernel.10.cloned.1.call-start
scs
__scs_entry_jumppad:
0x0: {  	(pc) =	sbr.rel $0x88, $3  }
0x1: {  	(tag) =	ssettag $0x0;
	lr =	simm.s32 $0x1  }
0x2: {  	[smem:$0x3F91] =	sst lr;
	_ =	strace $0xD0000000  }
0x3: {  	_ = 	snop  }
0x4: {  	_ = 	snop  }
0x5: {  	_ = 	snop  }
0x6: {  	_ = 	snop  }
0x7: {  	_ = 	snop  }
__scs_overlays_trampoline_lowered:
0x8: {  	[smem:$0x3FA0] =	sst s0  }
0x9: {  	[smem:$0x3FA1] =	sst s1  }
0xa: {  	[smem:$0x3FA2] =	sst s2  }
0xb: {  	[smem:$0x3FA3] =	sst s3  }
0xc: {  	[smem:$0x3FA4] =	sst s4  }
0xd: {  	[smem:$0x3FA5] =	sst s5  }
0xe: {  	[smem:$0x3FA6] =	sst s6  }
0xf: {  	[smem:$0x3FA7] =	sst s7  }
0x10: {  	[smem:$0x3FA8] =	sst s8  }
0x11: {  	[smem:$0x3FA9] =	sst s9;
	s0 =	simm.s32 @!p0 $0x0  }
0x12: {  	s1 =	sld [smem:$0x3F8F];
	s0 =	simm.s32 @p0 $0x1  }
0x13: {  	[smem:$0x3FAA] =	sst s0;
	s0 =	simm.s32 @!p1 $0x0  }
0x14: {  	s2 =	sld [smem:$0x3F8E];
	s0 =	simm.s32 @p1 $0x1  }
0x15: {  	[smem:$0x3FAB] =	sst s0;
	s0 =	simm.s32 @!p2 $0x0  }
0x16: {  	s3 =	sld [smem:$0x3FDB];
	s0 =	simm.s32 @p2 $0x1  }
0x17: {  	s4 =	simm.s32 $0x1BF5;
	[smem:$0x3FAD] =	sst s0  }
0x18: {  	s0 =	sld [smem:$0x3F90];
	_ =	swait.ge [sflag:s4], $0x0  }
0x19: {  	s7 =	sld [smem:$0x3F91]  }
0x1a: {  	s8 =	sadd.s32 $0xFFFFE003, lr  }
0x1b: {  	s9 =	sadd.s32 $0xFFFFFEF7, lr;
	s5 =	simm.s32 $0xFFFFFFFF;
	p2 =	slt.u32 s8, $0xFFFFF086  }
0x1c: {  	p1 =	slt.u32 s9, $0xF7A;
	s5 =	simm.s32 @!p2 $0x0  }
0x1d: {  	s5 =	simm.s32 @p1 $0x1;
	p0 =	seq.s32 s7, s2  }
0x1e: {  	s7 =	smul.u32 @!p0 $0xF7A, s2;
	p2 =	seq.s32 @!p0 s5, $0x0  }
0x1f: {  	s9 =	smul.u32 $0xF7A, s1;
	s8 =	simm.s32 @!p0 $0x1BF5;
	p2 =	por !p2, p0  }
0x20: {  	[sflag:s8] =	ssyncset.s32 @!p0 $0xFFFFF086;
	s6 =	sadd.s32 @!p0 s3, s7;
	s7 =	simm.s32 @!p0 $0x108  }
0x21: {  	s3 =	sadd.s32 s3, s9;
	s6 =	sadd.s32 @!p0 $0x88, s6;
	s7 =	simm.s32 @p2 $0x1082  }
0x22: {  	[simem:s7], [sflag:s8] =	dma.local @!p0 [hbm:s6], $0xF7A  }
0x23: {  	s9 =	sor.u32 $0xD0000000, s2;
	s6 =	simm.s32 $0x108;
	_ =	swait.ge @!p0 [sflag:s8], $0x0  }
0x24: {  	s3 =	sadd.s32 $0x88, s3;
	s6 =	simm.s32 @!p1 $0x1082;
	[sflag:s4] =	ssyncset.s32 $0xFFFFF086  }
0x25: {  	[simem:s6], [sflag:s4] =	dma.local [hbm:s3], $0xF7A  }
0x26: {  	[smem:$0x3F91] =	sst s1;
	(tag) =	ssettag s2;
	_ =	strace s9  }
0x27: {  	s1 =	sld [smem:$0x3FA1]  }
0x28: {  	s2 =	sld [smem:$0x3FA2]  }
0x29: {  	s4 =	sld [smem:$0x3FA4]  }
0x2a: {  	p0 =	seq.s32 s5, $0x0;
	s5 =	sld [smem:$0x3FA5]  }
0x2b: {  	s6 =	sld [smem:$0x3FA6]  }
0x2c: {  	s7 =	sld [smem:$0x3FA7]  }
0x2d: {  	s3 =	simm.s32 $0x108;
	s8 =	sld [smem:$0x3FA8]  }
0x2e: {  	s3 =	simm.s32 @!p0 $0x1082;
	s9 =	sld [smem:$0x3FA9]  }
0x2f: {  	lr =	sadd.s32 s0, s3;
	s0 =	sld [smem:$0x3FA0]  }
0x30: {  	s3 =	sld [smem:$0x3FA3]  }
0x31: {  	[smem:$0x3FAC] =	sst s10  }
0x32: {  	s10 =	sld [smem:$0x3FAA];
	_ =	sdelay $0x3  }
0x33: {  	p0 =	seq.s32 s10, $0x1;
	s10 =	sld [smem:$0x3FAC];
	_ =	sdelay $0x3  }
0x34: {  	[smem:$0x3FAC] =	sst s10  }
0x35: {  	s10 =	sld [smem:$0x3FAB];
	_ =	sdelay $0x3  }
0x36: {  	p1 =	seq.s32 s10, $0x1;
	s10 =	sld [smem:$0x3FAC];
	_ =	sdelay $0x3  }
0x37: {  	[smem:$0x3FAC] =	sst s10  }
0x38: {  	s10 =	sld [smem:$0x3FAD]  }
0x39: {  	_ = 	snop;
	(pc) =	sbr.ind lr, $3  }
0x3a: {  	_ = 	snop  }
0x3b: {  	_ = 	snop  }
0x3c: {  	p2 =	seq.s32 s10, $0x1;
	s10 =	sld [smem:$0x3FAC]  }
0x3d: {  	_ =	shalt  }
0x3e: {  	_ =	shalt  }
0x3f: {  	_ =	shalt  }
0x40: {  	_ =	shalt  }
0x41: {  	_ =	shalt  }
0x42: {  	_ =	shalt  }
0x43: {  	_ =	shalt  }
0x44: {  	_ =	shalt  }
0x45: {  	_ =	shalt  }
0x46: {  	_ =	shalt  }
0x47: {  	_ =	shalt  }
0x48: {  	_ =	shalt  }
0x49: {  	_ =	shalt  }
0x4a: {  	_ =	shalt  }
0x4b: {  	_ =	shalt  }
0x4c: {  	_ =	shalt  }
0x4d: {  	_ =	shalt  }
0x4e: {  	_ =	shalt  }
0x4f: {  	_ =	shalt  }
0x50: {  	_ =	shalt  }
0x51: {  	_ =	shalt  }
0x52: {  	_ =	shalt  }
0x53: {  	_ =	shalt  }
0x54: {  	_ =	shalt  }
0x55: {  	_ =	shalt  }
0x56: {  	_ =	shalt  }
0x57: {  	_ =	shalt  }
0x58: {  	_ =	shalt  }
0x59: {  	_ =	shalt  }
0x5a: {  	_ =	shalt  }
0x5b: {  	_ =	shalt  }
0x5c: {  	_ =	shalt  }
0x5d: {  	_ =	shalt  }
0x5e: {  	_ =	shalt  }
0x5f: {  	_ =	shalt  }
0x60: {  	_ =	shalt  }
0x61: {  	_ =	shalt  }
0x62: {  	_ =	shalt  }
0x63: {  	_ =	shalt  }
0x64: {  	_ =	shalt  }
0x65: {  	_ =	shalt  }
0x66: {  	_ =	shalt  }
0x67: {  	_ =	shalt  }
0x68: {  	_ =	shalt  }
0x69: {  	_ =	shalt  }
0x6a: {  	_ =	shalt  }
0x6b: {  	_ =	shalt  }
0x6c: {  	_ =	shalt  }
0x6d: {  	_ =	shalt  }
0x6e: {  	_ =	shalt  }
0x6f: {  	_ =	shalt  }
0x70: {  	_ =	shalt  }
0x71: {  	_ =	shalt  }
0x72: {  	_ =	shalt  }
0x73: {  	_ =	shalt  }
0x74: {  	_ =	shalt  }
0x75: {  	_ =	shalt  }
0x76: {  	_ =	shalt  }
0x77: {  	_ =	shalt  }
0x78: {  	_ =	shalt  }
0x79: {  	_ =	shalt  }
0x7a: {  	_ =	shalt  }
0x7b: {  	_ =	shalt  }
0x7c: {  	_ =	shalt  }
0x7d: {  	_ =	shalt  }
0x7e: {  	_ =	shalt  }
0x7f: {  	_ =	shalt  }
0x80: {  	_ =	shalt  }
0x81: {  	_ =	shalt  }
0x82: {  	_ =	shalt  }
0x83: {  	_ =	shalt  }
0x84: {  	_ =	shalt  }
0x85: {  	_ =	shalt  }
0x86: {  	_ =	shalt  }
0x87: {  	_ =	shalt  }
.Lfunc_end0:
.L_simem_size_0:
called_computation.1_lowered:
.L_overlay_start_0:
0x88: {  	s2 =	sld [smem:$0x3FD9]  }
0x89: {  	s3 =	sld [smem:$0x3FFE];
	_ =	sdelay $0x1  }
0x8a: {  	s1 =	srdreg.scid  }
0x8b: {  	s0 =	sand.u32 $0x1, s1  }
0x8c: {  	s14 =	sshll.u32 s0, $0xA;
	s2 =	sadd.s32 s3, s2  }
0x8d: {  	s2 =	sadd.s32 s2, s14  }
0x8e: {  	[smem:$0x3FB8] =	sst s2  }
0x8f: {  	_ = 	snop  }
0x90: {  	s2 =	sld [smem:$0x3FD0];
	_ =	sdelay $0x2  }
0x91: {  	s15 =	simm.s32 $0xA;
	s4 =	simm.s32 $0x10  }
0x92: {  	[smem:s4], [sflag:s15] =	dma.local [hbm:s2], $0x1  }
0x93: {  	_ =	swait.eq [sflag:s15], $0x1  }
0x94: {  	[sflag:s15] =	ssyncset.done $0x0  }
0x95: {  	[sflag:s15] =	ssyncadd.s32 $0xFFFFFFFF  }
0x96: {  	s16 =	sld [smem:$0x10];
	(tm) =	ssettm $0x1  }
0x97: {  	s17 =	sld [smem:$0x3FFB];
	_ =	sdelay $0x3  }
0x98: {  	_ =	strace s17  }
0x99: {  	s3 =	sld [smem:$0x3FFC];
	_ =	sdelay $0x3  }
0x9a: {  	_ =	strace s3  }
0x9b: {  	s3 =	sld [smem:$0x3FFD];
	_ =	sdelay $0x3  }
0x9c: {  	_ =	strace s3  }
0x9d: {  	_ =	strace $0x8FFFFFFF  }
0x9e: {  	s18 =	sld [smem:$0x3FDB];
	_ =	sdelay $0x1  }
0x9f: {  	s19 =	simm.s32 $_scs_section_size  }
0xa0: {  	s5 =	simm.s32 $_size__tile_overlayer_lowered;
	s6 =	simm.s32 $_tile_overlayer_lowered  }
0xa1: {  	s22 =	simm.s32 $0x1BFF;
	s21 =	sshll.u32 s6, $0x1;
	s3 =	sadd.s32 s19, s18  }
0xa2: {  	s7 =	simm.s32 $0x0;
	s20 =	sshll.u32 s5, $0x1;
	s5 =	sadd.s32 s21, s3  }
0xa3: {  	[timem:s7], [sflag:s22] =	dma.local [hbm:s5], s20  }
0xa4: {  	_ =	swait.ge [sflag:s22], s20  }
0xa5: {  	s4 =	ssub.s32 $0x0, s20;
	[sflag:s22] =	ssyncset.done $0x0  }
0xa6: {  	[sflag:s22] =	ssyncadd.s32 s4;
	_ =	sdelay $0x1  }
0xa7: {  	s23 =	simm.s32 $0x1B8B  }
0xa8: {  	_ =	swait.ge [sflag:s23], $0x1  }
0xa9: {  	[sflag:s23] =	ssyncset.done $0x0  }
0xaa: {  	s25 =	simm.s32 $0x1B8E;
	s24 =	sld [smem:$0x3FFE];
	[sflag:s23] =	ssyncadd.s32 $0xFFFFFFFF  }
0xab: {  	s26 =	simm.s32 $execute0_lowered;
	[smem:$0x3FD2] =	sst s25  }
0xac: {  	s5 =	sshll.u32 s26, $0x1;
	_ =	strace $0x80000049;
	[dreg:$0x1] =	wrdreg $0xFFFFFFFF  }
0xad: {  	s28 =	simm.s32 $_size_execute0_lowered;
	s3 =	sadd.s32 s3, s5;
	[dreg:$0x0] =	wrdreg $0x0  }
0xae: {  	s5 =	sshll.u32 s28, $0x1;
	[dreg:$0x2] =	wrdreg s3  }
0xaf: {  	[dreg:$0x3] =	wrdreg s5  }
0xb0: {  	[dreg:$0x4] =	wrdreg $0xC0  }
0xb1: {  	_ =	task [dreg:s7], $0x5FFFF  }
0xb2: {  	[dreg:$0x1] =	wrdreg $0xFFFFFFFF  }
0xb3: {  	[dreg:$0x0] =	wrdreg $0x60  }
0xb4: {  	[dreg:$0x2] =	wrdreg s24  }
0xb5: {  	[dreg:$0x3] =	wrdreg s16  }
0xb6: {  	[dreg:$0x4] =	wrdreg $0x68000  }
0xb7: {  	[dreg:$0x5] =	wrdreg $0x9  }
0xb8: {  	_ =	task.clear_ibuf [dreg:s7], $0x6FFFF;
	_ =	strace $0x90000049  }
0xb9: {  	s29 =	simm.s32 $0x9;
	_ =	strace $0x8000004B  }
0xba: {  	_ =	swait.ge [sflag:s29], $0x1  }
0xbb: {  	[sflag:s29] =	ssyncadd.s32 $0xFFFFFFFF  }
0xbc: {  	_ =	strace $0x9000004B  }
0xbd: {  	_ =	sfence  }
0xbe: {  	s30 =	sld [smem:$0x0];
	_ =	sdelay $0x2  }
0xbf: {  	s31 =	sshll.u32 s1, $0xD;
	s1 =	sshrl.u32 s1, $0x2  }
0xc0: {  	s3 =	sand.u32 $0x4000, s31;
	s1 =	sadd.s32 s1, s30  }
0xc1: {  	s0 =	sor.u32 s3, s0;
	s1 =	sshll.u32 s1, $0x11  }
0xc2: {  	s0 =	sor.u32 s1, s0  }
0xc3: {  	s0 =	sadd.s32 $0x8F2B, s0  }
0xc4: {  	[sflag:s0] =	ssyncadd.remote.s32 $0x1  }
0xc5: {  	_ =	sfence.sel $0xFFFF  }
0xc6: {  	[dreg:$0x0] =	wrdreg $0xFFFFFFFF;
	(pc) =	sbr.abs _section_cstart, $3  }
0xc7: {  	[dreg:$0x1] =	wrdreg $0xFFFFFFFF  }
0xc8: {  	_ =	task.clear_ibuf [dreg:s7], $0x2FFFF;
	_ =	strace $0x9FFFFFFF  }
0xc9: {  	(tm) =	ssettm $0x7FFFFFFF  }
tec
execute0_lowered:
.L_overlay_start_1:
0x0: {  	(tag) =	ssettag $0x1  }
0x1: {  	s5 =	rddreg [dreg:$0x0]  }
0x2: {  	s2 =	rddreg [dreg:$0x1];
	s0 =	stileid.u32  }
0x3: {  	s1 =	srdreg.scid;
	s3 =	rddreg [dreg:$0x2]  }
0x4: {  	s4 =	simm.s32 $0x0;
	s13 =	simm.s32 $0x1;
	s14 =	simm.s32 $0x50  }
0x5: {  	s6 =	smul.u32 $0x4E200, s0;
	s7 =	sand.u32 $0x1, s1;
	s1 =	rddreg [dreg:$0x3]  }
0x6: {  	s15 =	simm.s32 $0x0;
	[smem:$0x7FF] =	sst s4;
	s9 =	smul.u32 $0x14000, s0  }
0x7: {  	s25 =	sshll.u32 s0, $0xC;
	s26 =	smul.u32 $0x50000, s0;
	s30 =	sshll.u32 s0, $0x6  }
0x8: {  	s8 =	smul.u32 $0x140000, s7;
	_ =	strace $0x8000004A;
	s11 =	sshll.u32 s7, $0xB  }
0x9: {  	s28 =	ssub.s32 $0x2, s7;
	s7 =	smul.u32 $0x27100, s7;
	s10 =	sadd.s32 s6, s5  }
0xa: {  	s6 =	sor.u32 s11, s25;
	s29 =	sshrl.u32 s28, $0x1;
	s8 =	sadd.s32 s9, s8  }
0xb: {  	s6 =	sadd.s32 s6, s5;
	s9 =	sshrl.u32 s26, $0x2;
	s11 =	ssub.s32 s28, s29  }
0xc: {  	s31 =	sadd.s32 s7, s10;
	s8 =	sshrl.u32 s8, $0x3;
	s12 =	sadd.s32 s9, s3  }
0xd: {  	s6 =	sadd.s32 $0x3800, s6;
	s9 =	sadd.s32 $0x9E7800, s31;
	s8 =	sadd.s32 s8, s5  }
0xe: {  	s5 =	sor.u32 $0x1C02, s30;
	s10 =	sshrl.u32 s12, $0x3;
	s12 =	simm.s32 $0x4000  }
0xf: {  	s7 =	sadd.s32 $0x13800, s8;
	s8 =	smax.u32 s11, $0x1;
	s11 =	simm.s32 $0x2  }
.LBB2_1:
0x10: {  	[spmem:s10], [sflag:s5] =	dma.local [hbm:s2], $0x2800  }
0x11: {  	_ =	swait.ge [sflag:s11], $0x2800  }
0x12: {  	[sflag:s11] =	ssyncset.done $0x0  }
0x13: {  	[sflag:s11] =	ssyncadd.s32 $0xFFFFD800  }
0x14: {  	[bflag:$0x0] =	sbarrier.arrive $0xFFFF  }
0x15: {  	[tilespmem:s4], [sflag:$0x2] =	stream.linear.gather [hbm4b:s6+s4], $0x3E80, $0x38;
	[tilespmem:$0x1A800] =	vst v63  }
0x16: {  	_ =	swait.ge [sflag:s11], $0x3E80  }
0x17: {  	[sflag:s11] =	ssyncset.done $0x0  }
0x18: {  	[sflag:s11] =	ssyncadd.s32 $0xFFFFC180  }
0x19: {  	[tilespmem:s12], [sflag:$0x1] =	stream.linear.gather [hbm4b:s9+s4], $0x2800, $0x38;
	[tilespmem:$0x1A800] =	vst v63  }
0x1a: {  	_ =	swait.ge [sflag:s13], $0x2800  }
0x1b: {  	[sflag:s13] =	ssyncset.done $0x0  }
0x1c: {  	s16 =	simm.s32 $0x0;
	[sflag:s13] =	ssyncadd.s32 $0xFFFFD800  }
0x1d: {  	[spmem:s3] =	stream.indirect.scatter.add.f32 [tilespmem:s12], [sflag:$0x2], $0x80, s16, s14, $0xb8;
	[tilespmem:$0x1A800] =	vst v63  }
0x1e: {  	_ =	swait.ge [sflag:s11], $0x2800  }
0x1f: {  	s17 =	smov.u32 s9;
	s16 =	simm.s32 $0x200;
	[sflag:s11] =	ssyncset.done $0x0  }
.LBB2_2:
0x20: {  	p0 =	sne.s32 s16, $0xF800;
	[sflag:s11] =	ssyncadd.s32 $0xFFFFD800;
	s17 =	sadd.s32 $0x500, s17  }
0x21: {  	[tilespmem:s12], [sflag:$0x1] =	stream.linear.gather [hbm4b:s17+s4], $0x2800, $0x38;
	[tilespmem:$0x1A800] =	vst v63  }
0x22: {  	s18 =	smov.u32 s16;
	s16 =	sadd.s32 $0x200, s16;
	_ =	swait.ge [sflag:s13], $0x2800  }
.Ltmp0:
0x23: {  	[sflag:s13] =	ssyncset.done $0x0;
	(pc) =	sbr.rel @p0 .LBB2_2-.Ltmp0, $4  }
0x24: {  	s18 =	sshra.s32 s18, $0x2;
	[sflag:s13] =	ssyncadd.s32 $0xFFFFD800  }
0x25: {  	[spmem:s3] =	stream.indirect.scatter.add.f32 [tilespmem:s12], [sflag:$0x2], $0x80, s18, s14, $0xb8;
	[tilespmem:$0x1A800] =	vst v63  }
0x26: {  	_ =	swait.ge [sflag:s11], $0x2800  }
0x27: {  	[sflag:s11] =	ssyncset.done $0x0  }
0x28: {  	s15 =	sadd.s32 $0x1, s15  }
0x29: {  	[sflag:s11] =	ssyncadd.s32 $0xFFFFD800;
	p0 =	sne.s32 s15, s8  }
.Ltmp1:
0x2a: {  	[bflag:$0x0] =	sbarrier.arrive $0xFFFF;
	(pc) =	sbr.rel @p0 .LBB2_1-.Ltmp1, $4  }
0x2b: {  	[hbm:s7], [sflag:s5] =	dma.local [spmem:s10], $0x2800  }
0x2c: {  	_ =	swait.ge [sflag:s11], $0x2800  }
0x2d: {  	[sflag:s11] =	ssyncset.done $0x0  }
0x2e: {  	[sflag:s11] =	ssyncadd.s32 $0xFFFFD800  }
0x2f: {  	_ =	sfence.sel $0x180000  }
0x30: {  	[bflag:$0x0] =	sbarrier.arrive $0xFFFF  }
0x31: {  	p0 =	sne.s32 s0, $0x0;
	_ =	strace $0x9000004A  }
0x32: {  	s0 =	sadd.s32 @!p0 $0x100000, s1;
	[bflag:$0x2] =	sbarrier.arrive $0xFFFF  }
0x33: {  	[sflag:s0] =	ssyncadd.tile.s32 @!p0 $0x1;
	_ =	shalt  }
.Lfunc_end2:
_tile_overlayer_lowered:
.L_overlay_start_2:
0x34: {  	(tag) =	ssettag $0x2  }
0x35: {  	s0 =	rddreg [dreg:$0x0];
	s2 =	stileid.u32  }
0x36: {  	s1 =	rddreg [dreg:$0x1];
	p0 =	sne.s32 s2, $0x0  }
0x37: {  	s3 =	rddreg [dreg:$0x2];
	[bflag:$0x3] =	sbarrier.arrive $0xFFFF;
	s2 =	simm.s32 @!p0 $0x1C02  }
0x38: {  	[timem:s3], [sflag:s2] =	dma.local @!p0 [hbm:s0], s1  }
0x39: {  	s0 =	simm.s32 @!p0 $0x2  }
0x3a: {  	_ =	swait.ge @!p0 [sflag:s0], s1  }
0x3b: {  	s1 =	ssub.s32 @!p0 $0x0, s1;
	[sflag:s0] =	ssyncset.done @!p0 $0x0  }
0x3c: {  	[sflag:s0] =	ssyncadd.s32 @!p0 s1  }
0x3d: {  	[bflag:$0x3] =	sbarrier.arrive $0xFFFF  }
0x3e: {  	_ =	shalt  }

// kernel: kernel.7.cloned.1.call-start
scs
__scs_entry_jumppad:
0x0: {  	(pc) =	sbr.rel $0x88, $3  }
0x1: {  	(tag) =	ssettag $0x0;
	lr =	simm.s32 $0x1  }
0x2: {  	[smem:$0x3F91] =	sst lr;
	_ =	strace $0xD0000000  }
0x3: {  	_ = 	snop  }
0x4: {  	_ = 	snop  }
0x5: {  	_ = 	snop  }
0x6: {  	_ = 	snop  }
0x7: {  	_ = 	snop  }
__scs_overlays_trampoline_lowered:
0x8: {  	[smem:$0x3FA0] =	sst s0  }
0x9: {  	[smem:$0x3FA1] =	sst s1  }
0xa: {  	[smem:$0x3FA2] =	sst s2  }
0xb: {  	[smem:$0x3FA3] =	sst s3  }
0xc: {  	[smem:$0x3FA4] =	sst s4  }
0xd: {  	[smem:$0x3FA5] =	sst s5  }
0xe: {  	[smem:$0x3FA6] =	sst s6  }
0xf: {  	[smem:$0x3FA7] =	sst s7  }
0x10: {  	[smem:$0x3FA8] =	sst s8  }
0x11: {  	[smem:$0x3FA9] =	sst s9;
	s0 =	simm.s32 @!p0 $0x0  }
0x12: {  	s1 =	sld [smem:$0x3F8F];
	s0 =	simm.s32 @p0 $0x1  }
0x13: {  	[smem:$0x3FAA] =	sst s0;
	s0 =	simm.s32 @!p1 $0x0  }
0x14: {  	s2 =	sld [smem:$0x3F8E];
	s0 =	simm.s32 @p1 $0x1  }
0x15: {  	[smem:$0x3FAB] =	sst s0;
	s0 =	simm.s32 @!p2 $0x0  }
0x16: {  	s3 =	sld [smem:$0x3FDB];
	s0 =	simm.s32 @p2 $0x1  }
0x17: {  	s4 =	simm.s32 $0x1BF5;
	[smem:$0x3FAD] =	sst s0  }
0x18: {  	s0 =	sld [smem:$0x3F90];
	_ =	swait.ge [sflag:s4], $0x0  }
0x19: {  	s7 =	sld [smem:$0x3F91]  }
0x1a: {  	s8 =	sadd.s32 $0xFFFFE003, lr  }
0x1b: {  	s9 =	sadd.s32 $0xFFFFFEF7, lr;
	s5 =	simm.s32 $0xFFFFFFFF;
	p2 =	slt.u32 s8, $0xFFFFF086  }
0x1c: {  	p1 =	slt.u32 s9, $0xF7A;
	s5 =	simm.s32 @!p2 $0x0  }
0x1d: {  	s5 =	simm.s32 @p1 $0x1;
	p0 =	seq.s32 s7, s2  }
0x1e: {  	s7 =	smul.u32 @!p0 $0xF7A, s2;
	p2 =	seq.s32 @!p0 s5, $0x0  }
0x1f: {  	s9 =	smul.u32 $0xF7A, s1;
	s8 =	simm.s32 @!p0 $0x1BF5;
	p2 =	por !p2, p0  }
0x20: {  	[sflag:s8] =	ssyncset.s32 @!p0 $0xFFFFF086;
	s6 =	sadd.s32 @!p0 s3, s7;
	s7 =	simm.s32 @!p0 $0x108  }
0x21: {  	s3 =	sadd.s32 s3, s9;
	s6 =	sadd.s32 @!p0 $0x88, s6;
	s7 =	simm.s32 @p2 $0x1082  }
0x22: {  	[simem:s7], [sflag:s8] =	dma.local @!p0 [hbm:s6], $0xF7A  }
0x23: {  	s9 =	sor.u32 $0xD0000000, s2;
	s6 =	simm.s32 $0x108;
	_ =	swait.ge @!p0 [sflag:s8], $0x0  }
0x24: {  	s3 =	sadd.s32 $0x88, s3;
	s6 =	simm.s32 @!p1 $0x1082;
	[sflag:s4] =	ssyncset.s32 $0xFFFFF086  }
0x25: {  	[simem:s6], [sflag:s4] =	dma.local [hbm:s3], $0xF7A  }
0x26: {  	[smem:$0x3F91] =	sst s1;
	(tag) =	ssettag s2;
	_ =	strace s9  }
0x27: {  	s1 =	sld [smem:$0x3FA1]  }
0x28: {  	s2 =	sld [smem:$0x3FA2]  }
0x29: {  	s4 =	sld [smem:$0x3FA4]  }
0x2a: {  	p0 =	seq.s32 s5, $0x0;
	s5 =	sld [smem:$0x3FA5]  }
0x2b: {  	s6 =	sld [smem:$0x3FA6]  }
0x2c: {  	s7 =	sld [smem:$0x3FA7]  }
0x2d: {  	s3 =	simm.s32 $0x108;
	s8 =	sld [smem:$0x3FA8]  }
0x2e: {  	s3 =	simm.s32 @!p0 $0x1082;
	s9 =	sld [smem:$0x3FA9]  }
0x2f: {  	lr =	sadd.s32 s0, s3;
	s0 =	sld [smem:$0x3FA0]  }
0x30: {  	s3 =	sld [smem:$0x3FA3]  }
0x31: {  	[smem:$0x3FAC] =	sst s10  }
0x32: {  	s10 =	sld [smem:$0x3FAA];
	_ =	sdelay $0x3  }
0x33: {  	p0 =	seq.s32 s10, $0x1;
	s10 =	sld [smem:$0x3FAC];
	_ =	sdelay $0x3  }
0x34: {  	[smem:$0x3FAC] =	sst s10  }
0x35: {  	s10 =	sld [smem:$0x3FAB];
	_ =	sdelay $0x3  }
0x36: {  	p1 =	seq.s32 s10, $0x1;
	s10 =	sld [smem:$0x3FAC];
	_ =	sdelay $0x3  }
0x37: {  	[smem:$0x3FAC] =	sst s10  }
0x38: {  	s10 =	sld [smem:$0x3FAD]  }
0x39: {  	_ = 	snop;
	(pc) =	sbr.ind lr, $3  }
0x3a: {  	_ = 	snop  }
0x3b: {  	_ = 	snop  }
0x3c: {  	p2 =	seq.s32 s10, $0x1;
	s10 =	sld [smem:$0x3FAC]  }
0x3d: {  	_ =	shalt  }
0x3e: {  	_ =	shalt  }
0x3f: {  	_ =	shalt  }
0x40: {  	_ =	shalt  }
0x41: {  	_ =	shalt  }
0x42: {  	_ =	shalt  }
0x43: {  	_ =	shalt  }
0x44: {  	_ =	shalt  }
0x45: {  	_ =	shalt  }
0x46: {  	_ =	shalt  }
0x47: {  	_ =	shalt  }
0x48: {  	_ =	shalt  }
0x49: {  	_ =	shalt  }
0x4a: {  	_ =	shalt  }
0x4b: {  	_ =	shalt  }
0x4c: {  	_ =	shalt  }
0x4d: {  	_ =	shalt  }
0x4e: {  	_ =	shalt  }
0x4f: {  	_ =	shalt  }
0x50: {  	_ =	shalt  }
0x51: {  	_ =	shalt  }
0x52: {  	_ =	shalt  }
0x53: {  	_ =	shalt  }
0x54: {  	_ =	shalt  }
0x55: {  	_ =	shalt  }
0x56: {  	_ =	shalt  }
0x57: {  	_ =	shalt  }
0x58: {  	_ =	shalt  }
0x59: {  	_ =	shalt  }
0x5a: {  	_ =	shalt  }
0x5b: {  	_ =	shalt  }
0x5c: {  	_ =	shalt  }
0x5d: {  	_ =	shalt  }
0x5e: {  	_ =	shalt  }
0x5f: {  	_ =	shalt  }
0x60: {  	_ =	shalt  }
0x61: {  	_ =	shalt  }
0x62: {  	_ =	shalt  }
0x63: {  	_ =	shalt  }
0x64: {  	_ =	shalt  }
0x65: {  	_ =	shalt  }
0x66: {  	_ =	shalt  }
0x67: {  	_ =	shalt  }
0x68: {  	_ =	shalt  }
0x69: {  	_ =	shalt  }
0x6a: {  	_ =	shalt  }
0x6b: {  	_ =	shalt  }
0x6c: {  	_ =	shalt  }
0x6d: {  	_ =	shalt  }
0x6e: {  	_ =	shalt  }
0x6f: {  	_ =	shalt  }
0x70: {  	_ =	shalt  }
0x71: {  	_ =	shalt  }
0x72: {  	_ =	shalt  }
0x73: {  	_ =	shalt  }
0x74: {  	_ =	shalt  }
0x75: {  	_ =	shalt  }
0x76: {  	_ =	shalt  }
0x77: {  	_ =	shalt  }
0x78: {  	_ =	shalt  }
0x79: {  	_ =	shalt  }
0x7a: {  	_ =	shalt  }
0x7b: {  	_ =	shalt  }
0x7c: {  	_ =	shalt  }
0x7d: {  	_ =	shalt  }
0x7e: {  	_ =	shalt  }
0x7f: {  	_ =	shalt  }
0x80: {  	_ =	shalt  }
0x81: {  	_ =	shalt  }
0x82: {  	_ =	shalt  }
0x83: {  	_ =	shalt  }
0x84: {  	_ =	shalt  }
0x85: {  	_ =	shalt  }
0x86: {  	_ =	shalt  }
0x87: {  	_ =	shalt  }
.Lfunc_end0:
.L_simem_size_0:
called_computation_lowered:
.L_overlay_start_0:
0x88: {  	s2 =	sld [smem:$0x3FD9]  }
0x89: {  	s3 =	sld [smem:$0x3FFE];
	_ =	sdelay $0x1  }
0x8a: {  	s1 =	srdreg.scid  }
0x8b: {  	s0 =	sand.u32 $0x1, s1  }
0x8c: {  	s14 =	sshll.u32 s0, $0xA;
	s2 =	sadd.s32 s3, s2  }
0x8d: {  	s2 =	sadd.s32 s2, s14  }
0x8e: {  	[smem:$0x3FB8] =	sst s2  }
0x8f: {  	_ = 	snop  }
0x90: {  	s2 =	sld [smem:$0x3FD0];
	_ =	sdelay $0x2  }
0x91: {  	s15 =	simm.s32 $0xA;
	s4 =	simm.s32 $0x10  }
0x92: {  	[smem:s4], [sflag:s15] =	dma.local [hbm:s2], $0x1  }
0x93: {  	_ =	swait.eq [sflag:s15], $0x1  }
0x94: {  	[sflag:s15] =	ssyncset.done $0x0  }
0x95: {  	s16 =	sld [smem:$0x10];
	[sflag:s15] =	ssyncadd.s32 $0xFFFFFFFF  }
0x96: {  	s17 =	sld [smem:$0x11];
	(tm) =	ssettm $0x1  }
0x97: {  	s18 =	sld [smem:$0x3FFB];
	_ =	sdelay $0x3  }
0x98: {  	_ =	strace s18  }
0x99: {  	s4 =	sld [smem:$0x3FFC];
	_ =	sdelay $0x3  }
0x9a: {  	_ =	strace s4  }
0x9b: {  	s4 =	sld [smem:$0x3FFD];
	_ =	sdelay $0x3  }
0x9c: {  	_ =	strace s4  }
0x9d: {  	_ =	strace $0x8FFFFFFF  }
0x9e: {  	s19 =	sld [smem:$0x3FDB];
	_ =	sdelay $0x1  }
0x9f: {  	s5 =	simm.s32 $_scs_section_size  }
0xa0: {  	s6 =	simm.s32 $_size__tile_overlayer_lowered;
	s7 =	simm.s32 $_tile_overlayer_lowered  }
0xa1: {  	s22 =	simm.s32 $0x1BFF;
	s21 =	sshll.u32 s7, $0x1;
	s4 =	sadd.s32 s5, s19  }
0xa2: {  	s8 =	simm.s32 $0x0;
	s20 =	sshll.u32 s6, $0x1;
	s6 =	sadd.s32 s21, s4  }
0xa3: {  	[timem:s8], [sflag:s22] =	dma.local [hbm:s6], s20  }
0xa4: {  	_ =	swait.ge [sflag:s22], s20  }
0xa5: {  	s5 =	ssub.s32 $0x0, s20;
	[sflag:s22] =	ssyncset.done $0x0  }
0xa6: {  	[sflag:s22] =	ssyncadd.s32 s5;
	_ =	sdelay $0x1  }
0xa7: {  	s23 =	simm.s32 $0x1B8B  }
0xa8: {  	_ =	swait.ge [sflag:s23], $0x1  }
0xa9: {  	[sflag:s23] =	ssyncset.done $0x0  }
0xaa: {  	s25 =	simm.s32 $0x1B8E;
	s24 =	sld [smem:$0x3FFE];
	[sflag:s23] =	ssyncadd.s32 $0xFFFFFFFF  }
0xab: {  	s26 =	simm.s32 $execute0_lowered;
	[smem:$0x3FD2] =	sst s25  }
0xac: {  	s6 =	sshll.u32 s26, $0x1;
	_ =	strace $0x80000046;
	[dreg:$0x1] =	wrdreg $0xFFFFFFFF  }
0xad: {  	s28 =	simm.s32 $_size_execute0_lowered;
	s4 =	sadd.s32 s4, s6;
	[dreg:$0x0] =	wrdreg $0x0  }
0xae: {  	s6 =	sshll.u32 s28, $0x1;
	[dreg:$0x2] =	wrdreg s4  }
0xaf: {  	[dreg:$0x3] =	wrdreg s6  }
0xb0: {  	[dreg:$0x4] =	wrdreg $0xC0  }
0xb1: {  	_ =	task [dreg:s8], $0x5FFFF  }
0xb2: {  	[dreg:$0x1] =	wrdreg $0xFFFFFFFF  }
0xb3: {  	[dreg:$0x0] =	wrdreg $0x60  }
0xb4: {  	[dreg:$0x2] =	wrdreg s16  }
0xb5: {  	[dreg:$0x3] =	wrdreg s17  }
0xb6: {  	[dreg:$0x4] =	wrdreg s24  }
0xb7: {  	[dreg:$0x5] =	wrdreg $0x9  }
0xb8: {  	_ =	task.clear_ibuf [dreg:s8], $0x6FFFF;
	_ =	strace $0x90000046  }
0xb9: {  	s29 =	simm.s32 $0x9;
	_ =	strace $0x80000048  }
0xba: {  	_ =	swait.ge [sflag:s29], $0x1  }
0xbb: {  	[sflag:s29] =	ssyncadd.s32 $0xFFFFFFFF  }
0xbc: {  	_ =	strace $0x90000048  }
0xbd: {  	_ =	sfence  }
0xbe: {  	s30 =	sld [smem:$0x0];
	_ =	sdelay $0x2  }
0xbf: {  	s31 =	sshll.u32 s1, $0xD;
	s1 =	sshrl.u32 s1, $0x2  }
0xc0: {  	s3 =	sand.u32 $0x4000, s31;
	s1 =	sadd.s32 s1, s30  }
0xc1: {  	s0 =	sor.u32 s3, s0;
	s1 =	sshll.u32 s1, $0x11  }
0xc2: {  	s0 =	sor.u32 s1, s0  }
0xc3: {  	s0 =	sadd.s32 $0x8F2B, s0  }
0xc4: {  	[sflag:s0] =	ssyncadd.remote.s32 $0x1  }
0xc5: {  	_ =	sfence.sel $0xFFFF  }
0xc6: {  	[dreg:$0x0] =	wrdreg $0xFFFFFFFF;
	(pc) =	sbr.abs _section_cstart, $3  }
0xc7: {  	[dreg:$0x1] =	wrdreg $0xFFFFFFFF  }
0xc8: {  	_ =	task.clear_ibuf [dreg:s8], $0x2FFFF;
	_ =	strace $0x9FFFFFFF  }
0xc9: {  	(tm) =	ssettm $0x7FFFFFFF  }
tec
execute0_lowered:
.L_overlay_start_1:
0x0: {  	(tag) =	ssettag $0x1  }
0x1: {  	s1 =	rddreg [dreg:$0x0]  }
0x2: {  	s2 =	rddreg [dreg:$0x1]  }
0x3: {  	s5 =	rddreg [dreg:$0x2]  }
0x4: {  	s0 =	rddreg [dreg:$0x3]  }
0x5: {  	s4 =	simm.s32 $0x0;
	s6 =	srdreg.scid;
	s3 =	stileid.u32  }
0x6: {  	s10 =	simm.s32 $0x3;
	s11 =	simm.s32 $0x4000;
	s12 =	simm.s32 $0x50  }
0x7: {  	s13 =	simm.s32 $0x8000;
	s14 =	simm.s32 $0xA800;
	s15 =	simm.s32 $0x1  }
0x8: {  	s16 =	simm.s32 $0x2;
	s17 =	simm.s32 $0x0;
	[smem:$0x7FF] =	sst s4  }
0x9: {  	s6 =	sand.u32 $0x1, s6;
	s7 =	sshll.u32 s3, $0xC;
	s9 =	smul.u32 $0x4E200, s3  }
0xa: {  	_ =	strace $0x80000047;
	s8 =	sshll.u32 s6, $0xB;
	s30 =	ssub.s32 $0x2, s6  }
0xb: {  	s6 =	smul.u32 $0x27100, s6;
	s7 =	sor.u32 s8, s7;
	s31 =	sshrl.u32 s30, $0x1  }
0xc: {  	s9 =	sadd.s32 s9, s5;
	s7 =	sadd.s32 s7, s5;
	s8 =	ssub.s32 s30, s31  }
0xd: {  	s9 =	sadd.s32 s6, s9;
	s5 =	sadd.s32 $0x13800, s7;
	s6 =	sadd.s32 $0x3800, s7  }
0xe: {  	s7 =	smax.u32 s8, $0x1;
	s8 =	sadd.s32 $0x23800, s9;
	s9 =	sadd.s32 $0x505800, s9  }
.LBB2_1:
0xf: {  	[tilespmem:s4], [sflag:$0x3] =	stream.linear.gather [hbm4b:s5+s4], $0x3E80, $0x38;
	[tilespmem:$0xD000] =	vst v63  }
0x10: {  	_ =	swait.ge [sflag:s10], $0x3E80  }
0x11: {  	[sflag:s10] =	ssyncset.done $0x0  }
0x12: {  	[sflag:s10] =	ssyncadd.s32 $0xFFFFC180  }
0x13: {  	[tilespmem:s11], [sflag:$0x3] =	stream.linear.gather [hbm4b:s6+s4], $0x3E80, $0x38;
	[tilespmem:$0xD000] =	vst v63  }
0x14: {  	_ =	swait.ge [sflag:s10], $0x3E80  }
0x15: {  	[sflag:s10] =	ssyncset.done $0x0  }
0x16: {  	s18 =	simm.s32 $0x0;
	[sflag:s10] =	ssyncadd.s32 $0xFFFFC180  }
0x17: {  	[tilespmem:s13], [sflag:$0x1] =	stream.indirect.gather [hbm4b:s1+s12], $0x80, s18, s12, $0xb8;
	[tilespmem:$0xD000] =	vst v63  }
0x18: {  	s31 =	simm.s32 $0x4000  }
0x19: {  	[tilespmem:s14], [sflag:$0x2] =	stream.indirect.gather [hbm4b:s2+s12], $0x80, s31, s12, $0xb8;
	[tilespmem:$0xD000] =	vst v63  }
0x1a: {  	_ =	swait.ge [sflag:s15], $0x2800  }
0x1b: {  	[sflag:s15] =	ssyncset.done $0x0  }
0x1c: {  	[sflag:s15] =	ssyncadd.s32 $0xFFFFD800  }
0x1d: {  	_ =	swait.ge [sflag:s16], $0x2800  }
0x1e: {  	[sflag:s16] =	ssyncset.done $0x0  }
0x1f: {  	[sflag:s16] =	ssyncadd.s32 $0xFFFFD800  }
0x20: {  	[hbm4b:s8+s4] =	stream.linear.scatter [tilespmem:s13], [sflag:$0x1], $0x2800, $0x38;
	[tilespmem:$0xD000] =	vst v63  }
0x21: {  	_ = 	snop  }
0x22: {  	[hbm4b:s9+s4] =	stream.linear.scatter [tilespmem:s14], [sflag:$0x2], $0x2800, $0x38;
	[tilespmem:$0xD000] =	vst v63  }
0x23: {  	_ =	swait.ge [sflag:s15], $0x2800  }
0x24: {  	[sflag:s15] =	ssyncset.done $0x0  }
0x25: {  	[sflag:s15] =	ssyncadd.s32 $0xFFFFD800  }
0x26: {  	s20 =	simm.s32 $0x200;
	s21 =	simm.s32 $0x400;
	_ =	swait.ge [sflag:s16], $0x2800  }
0x27: {  	s19 =	sadd.s32 $0x500, s9;
	s18 =	sadd.s32 $0x500, s8;
	[sflag:s16] =	ssyncset.done $0x0  }
.LBB2_2:
0x28: {  	s22 =	sshra.s32 s20, $0x2  }
0x29: {  	[sflag:s16] =	ssyncadd.s32 $0xFFFFD800;
	s20 =	smov.u32 s21;
	s23 =	sadd.s32 $0x200, s21  }
0x2a: {  	[tilespmem:s13], [sflag:$0x1] =	stream.indirect.gather [hbm4b:s1+s12], $0x80, s22, s12, $0xb8;
	[tilespmem:$0xD000] =	vst v63  }
0x2b: {  	p0 =	sne.s32 s21, $0xF800;
	s21 =	sadd.s32 $0x4000, s22  }
0x2c: {  	[tilespmem:s14], [sflag:$0x2] =	stream.indirect.gather [hbm4b:s2+s12], $0x80, s21, s12, $0xb8;
	[tilespmem:$0xD000] =	vst v63  }
0x2d: {  	_ =	swait.ge [sflag:s15], $0x2800  }
0x2e: {  	[sflag:s15] =	ssyncset.done $0x0  }
0x2f: {  	[sflag:s15] =	ssyncadd.s32 $0xFFFFD800  }
0x30: {  	_ =	swait.ge [sflag:s16], $0x2800  }
0x31: {  	[sflag:s16] =	ssyncset.done $0x0  }
0x32: {  	[sflag:s16] =	ssyncadd.s32 $0xFFFFD800  }
0x33: {  	[hbm4b:s18+s4] =	stream.linear.scatter [tilespmem:s13], [sflag:$0x1], $0x2800, $0x38;
	[tilespmem:$0xD000] =	vst v63  }
0x34: {  	_ = 	snop  }
0x35: {  	[hbm4b:s19+s4] =	stream.linear.scatter [tilespmem:s14], [sflag:$0x2], $0x2800, $0x38;
	[tilespmem:$0xD000] =	vst v63  }
.Ltmp0:
0x36: {  	_ =	swait.ge [sflag:s15], $0x2800;
	(pc) =	sbr.rel @p0 .LBB2_2-.Ltmp0, $4  }
0x37: {  	[sflag:s15] =	ssyncset.done $0x0  }
0x38: {  	[sflag:s15] =	ssyncadd.s32 $0xFFFFD800  }
0x39: {  	s21 =	smov.u32 s23;
	_ =	swait.ge [sflag:s16], $0x2800  }
0x3a: {  	s18 =	sadd.s32 $0x500, s18;
	s19 =	sadd.s32 $0x500, s19;
	[sflag:s16] =	ssyncset.done $0x0  }
0x3b: {  	s20 =	sshra.s32 s20, $0x2;
	[sflag:s16] =	ssyncadd.s32 $0xFFFFD800  }
0x3c: {  	[tilespmem:s13], [sflag:$0x1] =	stream.indirect.gather [hbm4b:s1+s12], $0x80, s20, s12, $0xb8;
	[tilespmem:$0xD000] =	vst v63  }
0x3d: {  	s20 =	sadd.s32 $0x4000, s20  }
0x3e: {  	[tilespmem:s14], [sflag:$0x2] =	stream.indirect.gather [hbm4b:s2+s12], $0x80, s20, s12, $0xb8;
	[tilespmem:$0xD000] =	vst v63  }
0x3f: {  	_ =	swait.ge [sflag:s15], $0x2800  }
0x40: {  	[sflag:s15] =	ssyncset.done $0x0  }
0x41: {  	[sflag:s15] =	ssyncadd.s32 $0xFFFFD800  }
0x42: {  	_ =	swait.ge [sflag:s16], $0x2800  }
0x43: {  	[sflag:s16] =	ssyncset.done $0x0  }
0x44: {  	[sflag:s16] =	ssyncadd.s32 $0xFFFFD800  }
0x45: {  	[hbm4b:s18+s4] =	stream.linear.scatter [tilespmem:s13], [sflag:$0x1], $0x2800, $0x38;
	[tilespmem:$0xD000] =	vst v63  }
0x46: {  	s17 =	sadd.s32 $0x1, s17  }
0x47: {  	[hbm4b:s19+s4] =	stream.linear.scatter [tilespmem:s14], [sflag:$0x2], $0x2800, $0x38;
	[tilespmem:$0xD000] =	vst v63  }
0x48: {  	p0 =	sne.s32 s17, s7;
	_ =	swait.ge [sflag:s15], $0x2800  }
.Ltmp1:
0x49: {  	[sflag:s15] =	ssyncset.done $0x0;
	(pc) =	sbr.rel @p0 .LBB2_1-.Ltmp1, $4  }
0x4a: {  	[sflag:s15] =	ssyncadd.s32 $0xFFFFD800  }
0x4b: {  	_ =	swait.ge [sflag:s16], $0x2800  }
0x4c: {  	[sflag:s16] =	ssyncset.done $0x0  }
0x4d: {  	[sflag:s16] =	ssyncadd.s32 $0xFFFFD800  }
0x4e: {  	_ =	sfence.sel $0x180000  }
0x4f: {  	[bflag:$0x0] =	sbarrier.arrive $0xFFFF  }
0x50: {  	p0 =	sne.s32 s3, $0x0;
	_ =	strace $0x90000047  }
0x51: {  	s0 =	sadd.s32 @!p0 $0x100000, s0;
	[bflag:$0x2] =	sbarrier.arrive $0xFFFF  }
0x52: {  	[sflag:s0] =	ssyncadd.tile.s32 @!p0 $0x1;
	_ =	shalt  }
.Lfunc_end2:
_tile_overlayer_lowered:
.L_overlay_start_2:
0x53: {  	(tag) =	ssettag $0x2  }
0x54: {  	s0 =	rddreg [dreg:$0x0];
	s2 =	stileid.u32  }
0x55: {  	s1 =	rddreg [dreg:$0x1];
	p0 =	sne.s32 s2, $0x0  }
0x56: {  	s3 =	rddreg [dreg:$0x2];
	[bflag:$0x3] =	sbarrier.arrive $0xFFFF;
	s2 =	simm.s32 @!p0 $0x1C03  }
0x57: {  	[timem:s3], [sflag:s2] =	dma.local @!p0 [hbm:s0], s1  }
0x58: {  	s0 =	simm.s32 @!p0 $0x3  }
0x59: {  	_ =	swait.ge @!p0 [sflag:s0], s1  }
0x5a: {  	s1 =	ssub.s32 @!p0 $0x0, s1;
	[sflag:s0] =	ssyncset.done @!p0 $0x0  }
0x5b: {  	[sflag:s0] =	ssyncadd.s32 @!p0 s1  }
0x5c: {  	[bflag:$0x3] =	sbarrier.arrive $0xFFFF  }
0x5d: {  	_ =	shalt  }

</sc_bundles>
